<compile_context>
chip_gen: v7x
topology: tpu7x:2x2x1
jax: 0.10.2.dev20260603
libtpu: 0.0.44.dev20260713+nightly
codegen_flags: <defaults>
</compile_context>

<pallas_src>
import jax
import jax.numpy as jnp
from jax import lax
from jax.experimental import pallas as pl
from jax.experimental.pallas import tpu as pltpu
from jax.experimental.pallas import tpu_sc as plsc

_B = 16384
_V = 27
_D = 27 * 27
_NC = 2
_NS = 16
_NW = _NC * _NS
_BPW = _B // _NW
_K = 8


def _sc_body(x_hbm, w_hbm, out_hbm, table_v, idx_v, sem):
    wid = lax.axis_index("s") * _NC + lax.axis_index("c")
    base = wid * _BPW
    pltpu.sync_copy(w_hbm, table_v)
    pltpu.sync_copy(x_hbm.at[pl.ds(base, _BPW)], idx_v)

    def group_body(g, _):
        vec = idx_v[pl.ds(g * 16, 16)]
        for l in range(16):
            pltpu.async_copy(
                table_v.at[vec[l]], out_hbm.at[base + g * 16 + l], sem
            )

        @pl.when(g >= _K)
        def _drain():
            pltpu.make_async_copy(
                w_hbm.at[pl.ds(0, 16)], table_v.at[pl.ds(0, 16)], sem
            ).wait()

        return _

    lax.fori_loop(0, _BPW // 16, group_body, 0)
    for _u in range(_K):
        pltpu.make_async_copy(
            w_hbm.at[pl.ds(0, 16)], table_v.at[pl.ds(0, 16)], sem
        ).wait()


@jax.jit
def kernel(x, W):
    x32 = x.astype(jnp.int32)
    w2d = W.reshape(_V, _D)
    mesh = plsc.VectorSubcoreMesh(core_axis_name="c", subcore_axis_name="s")
    out = pl.kernel(
        _sc_body,
        out_type=jax.ShapeDtypeStruct((_B, _D), jnp.float32),
        mesh=mesh,
        compiler_params=pltpu.CompilerParams(needs_layout_passes=False),
        scratch_types=[
            pltpu.VMEM((_V, _D), jnp.float32),
            pltpu.VMEM((_BPW,), jnp.int32),
            pltpu.SemaphoreType.DMA,
        ],
    )(x32, w2d)
    return out.reshape(_B, 27, 27)

# --- scband reference (transcript-rebuilt; emitter-appended) ---
"""Pipeline reference for scband-trigram-classifier-5686536700156 (READ-ONLY COPY).

The authoritative reference and input builder live on the scoring server;
editing this copy changes nothing except your own understanding.
"""

import jax, jax.numpy as jnp
import numpy as np

def setup_inputs(seed: int = 0) -> dict:
    key = jax.random.key(seed)
    k_w, k_x = jax.random.split(key)
    W = jax.random.normal(k_w, (27, 27, 27), dtype=jnp.float32)
    x = jax.random.randint(k_x, (16384,), 0, 27, dtype=jnp.int64)
    return {"x": x, "W": W}

def reference(x, W):
    # TrigramClassifier.forward: W[x] -> gather along first axis
    return jnp.take(W, x, axis=0)

if __name__ == "__main__":
    import jax
    _d = setup_inputs()
    print(jax.jit(kernel)(*tuple(_d.values())))

</pallas_src>

<mosaic_0001>
#map = affine_map<(d0, d1) -> (0)>
#map1 = affine_map<(d0, d1) -> (0, 0)>
module attributes {stable_mosaic.version = 14 : i64} {
  func.func @_sc_body(%arg0: i32, %arg1: i32, %arg2: memref<16384xi32, #tpu.memory_space<hbm>>, %arg3: memref<27x729xf32, #tpu.memory_space<hbm>>, %arg4: memref<16384x729xf32, #tpu.memory_space<hbm>>, %arg5: memref<27x729xf32, #tpu.memory_space<vmem>>, %arg6: memref<512xi32, #tpu.memory_space<vmem>>, %arg7: memref<!tpu.dma_semaphore, #tpu.memory_space<semaphore_mem>>) attributes {dimension_semantics = [#tpu.dimension_semantics<core_parallel>, #tpu.dimension_semantics<subcore_parallel>], iteration_bounds = array<i64: 2, 16>, scalar_prefetch = 0 : i64, scratch_operands = 3 : i64, tpu.core_type = #tpu.core_type<sc_vector_subcore>, window_params = [{transform_indices = #map}, {transform_indices = #map1}, {transform_indices = #map1}]} {
    %mul3A = arith.constant 2 : i32
    %mul3A_0 = arith.muli %arg1, %mul3A : i32
    %add3A = arith.addi %mul3A_0, %arg0 : i32
    %mul3A_1 = arith.constant 512 : i32
    %mul3A_2 = arith.muli %add3A, %mul3A_1 : i32
    "tpu.region"() ({
      %run_scoped3A = tpu.sem_alloc : memref<!tpu.dma_semaphore, #tpu.memory_space<semaphore_mem>>
      tpu.enqueue_dma source(%arg3 : memref<27x729xf32, #tpu.memory_space<hbm>>) target(%arg5 : memref<27x729xf32, #tpu.memory_space<vmem>>) target_semaphore(%run_scoped3A : memref<!tpu.dma_semaphore, #tpu.memory_space<semaphore_mem>>)
      tpu.wait_dma2 semaphore(%run_scoped3A : memref<!tpu.dma_semaphore, #tpu.memory_space<semaphore_mem>>) src(%arg3 : memref<27x729xf32, #tpu.memory_space<hbm>>) dst(%arg5 : memref<27x729xf32, #tpu.memory_space<vmem>>)
      tpu.yield
    }) : () -> ()
    "tpu.region"() ({
      %run_scoped3A = tpu.sem_alloc : memref<!tpu.dma_semaphore, #tpu.memory_space<semaphore_mem>>
      %dma_start3A = tpu.memref_slice %arg2[%mul3A_2] : memref<16384xi32, #tpu.memory_space<hbm>> -> memref<512xi32, #tpu.memory_space<hbm>>
      %dma_start3A_103 = tpu.memref_slice %arg2[%mul3A_2] : memref<16384xi32, #tpu.memory_space<hbm>> -> memref<512xi32, #tpu.memory_space<hbm>>
      tpu.enqueue_dma source(%dma_start3A_103 : memref<512xi32, #tpu.memory_space<hbm>>) target(%arg6 : memref<512xi32, #tpu.memory_space<vmem>>) target_semaphore(%run_scoped3A : memref<!tpu.dma_semaphore, #tpu.memory_space<semaphore_mem>>)
      %dma_wait3A_104 = tpu.memref_slice %arg2[%mul3A_2] : memref<16384xi32, #tpu.memory_space<hbm>> -> memref<512xi32, #tpu.memory_space<hbm>>
      %dma_wait3A_105 = tpu.memref_slice %arg2[%mul3A_2] : memref<16384xi32, #tpu.memory_space<hbm>> -> memref<512xi32, #tpu.memory_space<hbm>>
      tpu.wait_dma2 semaphore(%run_scoped3A : memref<!tpu.dma_semaphore, #tpu.memory_space<semaphore_mem>>) src(%dma_wait3A_105 : memref<512xi32, #tpu.memory_space<hbm>>) dst(%arg6 : memref<512xi32, #tpu.memory_space<vmem>>)
      tpu.yield
    }) : () -> ()
    %scan3A = arith.constant 0 : i32
    %scan3A_3 = arith.constant 0 : i32
    %scan3A_4 = arith.constant 32 : i32
    %scan3A_5 = arith.addi %scan3A_3, %scan3A_4 : i32
    %scan3A_6 = arith.constant 1 : i32
    scf.for %scan3A_103 = %scan3A_3 to %scan3A_5 step %scan3A_6  : i32 {
      %mul3A_104 = arith.constant 16 : i32
      %mul3A_105 = arith.muli %scan3A_103, %mul3A_104 : i32
      %get3A = arith.index_cast %mul3A_105 : i32 to index
      %get3A_106 = tpu.vector_load %arg6[%get3A] {strides = array<i32>} : memref<512xi32, #tpu.memory_space<vmem>>, vector<16xi32>,
      %slice3A = vector.extract_strided_slice %get3A_106 {offsets = [0], sizes = [1], strides = [1]} : vector<16xi32> to vector<1xi32>
      %squeeze3A = vector.extract %slice3A[0] : i32 from vector<1xi32>
      %mul3A_107 = arith.constant 16 : i32
      %mul3A_108 = arith.muli %scan3A_103, %mul3A_107 : i32
      %add3A_109 = arith.addi %mul3A_2, %mul3A_108 : i32
      %add3A_110 = arith.constant 0 : i32
      %add3A_111 = arith.addi %add3A_109, %add3A_110 : i32
      %dma_start3A = arith.constant 0 : i32
      %dma_start3A_112 = tpu.memref_slice %arg5[%squeeze3A, %dma_start3A] : memref<27x729xf32, #tpu.memory_space<vmem>> -> memref<1x729xf32, #tpu.memory_space<vmem>>
      %dma_start3A_113 = tpu.memref_squeeze %dma_start3A_112 : memref<1x729xf32, #tpu.memory_space<vmem>> -> memref<729xf32, #tpu.memory_space<vmem>>
      %dma_start3A_114 = arith.constant 0 : i32
      %dma_start3A_115 = tpu.memref_slice %arg4[%add3A_111, %dma_start3A_114] : memref<16384x729xf32, #tpu.memory_space<hbm>> -> memref<1x729xf32, #tpu.memory_space<hbm>>
      %dma_start3A_116 = tpu.memref_squeeze %dma_start3A_115 : memref<1x729xf32, #tpu.memory_space<hbm>> -> memref<729xf32, #tpu.memory_space<hbm>>
      %dma_start3A_117 = arith.constant 0 : i32
      %dma_start3A_118 = tpu.memref_slice %arg4[%add3A_111, %dma_start3A_117] : memref<16384x729xf32, #tpu.memory_space<hbm>> -> memref<1x729xf32, #tpu.memory_space<hbm>>
      %dma_start3A_119 = tpu.memref_squeeze %dma_start3A_118 : memref<1x729xf32, #tpu.memory_space<hbm>> -> memref<729xf32, #tpu.memory_space<hbm>>
      %dma_start3A_120 = arith.constant 0 : i32
      %dma_start3A_121 = tpu.memref_slice %arg5[%squeeze3A, %dma_start3A_120] : memref<27x729xf32, #tpu.memory_space<vmem>> -> memref<1x729xf32, #tpu.memory_space<vmem>>
      %dma_start3A_122 = tpu.memref_squeeze %dma_start3A_121 : memref<1x729xf32, #tpu.memory_space<vmem>> -> memref<729xf32, #tpu.memory_space<vmem>>
      tpu.enqueue_dma source(%dma_start3A_122 : memref<729xf32, #tpu.memory_space<vmem>>) target(%dma_start3A_119 : memref<729xf32, #tpu.memory_space<hbm>>) target_semaphore(%arg7 : memref<!tpu.dma_semaphore, #tpu.memory_space<semaphore_mem>>)
      %slice3A_123 = vector.extract_strided_slice %get3A_106 {offsets = [1], sizes = [1], strides = [1]} : vector<16xi32> to vector<1xi32>
      %squeeze3A_124 = vector.extract %slice3A_123[0] : i32 from vector<1xi32>
      %mul3A_125 = arith.constant 16 : i32
      %mul3A_126 = arith.muli %scan3A_103, %mul3A_125 : i32
      %add3A_127 = arith.addi %mul3A_2, %mul3A_126 : i32
      %add3A_128 = arith.constant 1 : i32
      %add3A_129 = arith.addi %add3A_127, %add3A_128 : i32
      %dma_start3A_130 = arith.constant 0 : i32
      %dma_start3A_131 = tpu.memref_slice %arg5[%squeeze3A_124, %dma_start3A_130] : memref<27x729xf32, #tpu.memory_space<vmem>> -> memref<1x729xf32, #tpu.memory_space<vmem>>
      %dma_start3A_132 = tpu.memref_squeeze %dma_start3A_131 : memref<1x729xf32, #tpu.memory_space<vmem>> -> memref<729xf32, #tpu.memory_space<vmem>>
      %dma_start3A_133 = arith.constant 0 : i32
      %dma_start3A_134 = tpu.memref_slice %arg4[%add3A_129, %dma_start3A_133] : memref<16384x729xf32, #tpu.memory_space<hbm>> -> memref<1x729xf32, #tpu.memory_space<hbm>>
      %dma_start3A_135 = tpu.memref_squeeze %dma_start3A_134 : memref<1x729xf32, #tpu.memory_space<hbm>> -> memref<729xf32, #tpu.memory_space<hbm>>
      %dma_start3A_136 = arith.constant 0 : i32
      %dma_start3A_137 = tpu.memref_slice %arg4[%add3A_129, %dma_start3A_136] : memref<16384x729xf32, #tpu.memory_space<hbm>> -> memref<1x729xf32, #tpu.memory_space<hbm>>
      %dma_start3A_138 = tpu.memref_squeeze %dma_start3A_137 : memref<1x729xf32, #tpu.memory_space<hbm>> -> memref<729xf32, #tpu.memory_space<hbm>>
      %dma_start3A_139 = arith.constant 0 : i32
      %dma_start3A_140 = tpu.memref_slice %arg5[%squeeze3A_124, %dma_start3A_139] : memref<27x729xf32, #tpu.memory_space<vmem>> -> memref<1x729xf32, #tpu.memory_space<vmem>>
      %dma_start3A_141 = tpu.memref_squeeze %dma_start3A_140 : memref<1x729xf32, #tpu.memory_space<vmem>> -> memref<729xf32, #tpu.memory_space<vmem>>
      tpu.enqueue_dma source(%dma_start3A_141 : memref<729xf32, #tpu.memory_space<vmem>>) target(%dma_start3A_138 : memref<729xf32, #tpu.memory_space<hbm>>) target_semaphore(%arg7 : memref<!tpu.dma_semaphore, #tpu.memory_space<semaphore_mem>>)
      %slice3A_142 = vector.extract_strided_slice %get3A_106 {offsets = [2], sizes = [1], strides = [1]} : vector<16xi32> to vector<1xi32>
      %squeeze3A_143 = vector.extract %slice3A_142[0] : i32 from vector<1xi32>
      %mul3A_144 = arith.constant 16 : i32
      %mul3A_145 = arith.muli %scan3A_103, %mul3A_144 : i32
      %add3A_146 = arith.addi %mul3A_2, %mul3A_145 : i32
      %add3A_147 = arith.constant 2 : i32
      %add3A_148 = arith.addi %add3A_146, %add3A_147 : i32
      %dma_start3A_149 = arith.constant 0 : i32
      %dma_start3A_150 = tpu.memref_slice %arg5[%squeeze3A_143, %dma_start3A_149] : memref<27x729xf32, #tpu.memory_space<vmem>> -> memref<1x729xf32, #tpu.memory_space<vmem>>
      %dma_start3A_151 = tpu.memref_squeeze %dma_start3A_150 : memref<1x729xf32, #tpu.memory_space<vmem>> -> memref<729xf32, #tpu.memory_space<vmem>>
      %dma_start3A_152 = arith.constant 0 : i32
      %dma_start3A_153 = tpu.memref_slice %arg4[%add3A_148, %dma_start3A_152] : memref<16384x729xf32, #tpu.memory_space<hbm>> -> memref<1x729xf32, #tpu.memory_space<hbm>>
      %dma_start3A_154 = tpu.memref_squeeze %dma_start3A_153 : memref<1x729xf32, #tpu.memory_space<hbm>> -> memref<729xf32, #tpu.memory_space<hbm>>
      %dma_start3A_155 = arith.constant 0 : i32
      %dma_start3A_156 = tpu.memref_slice %arg4[%add3A_148, %dma_start3A_155] : memref<16384x729xf32, #tpu.memory_space<hbm>> -> memref<1x729xf32, #tpu.memory_space<hbm>>
      %dma_start3A_157 = tpu.memref_squeeze %dma_start3A_156 : memref<1x729xf32, #tpu.memory_space<hbm>> -> memref<729xf32, #tpu.memory_space<hbm>>
      %dma_start3A_158 = arith.constant 0 : i32
      %dma_start3A_159 = tpu.memref_slice %arg5[%squeeze3A_143, %dma_start3A_158] : memref<27x729xf32, #tpu.memory_space<vmem>> -> memref<1x729xf32, #tpu.memory_space<vmem>>
      %dma_start3A_160 = tpu.memref_squeeze %dma_start3A_159 : memref<1x729xf32, #tpu.memory_space<vmem>> -> memref<729xf32, #tpu.memory_space<vmem>>
      tpu.enqueue_dma source(%dma_start3A_160 : memref<729xf32, #tpu.memory_space<vmem>>) target(%dma_start3A_157 : memref<729xf32, #tpu.memory_space<hbm>>) target_semaphore(%arg7 : memref<!tpu.dma_semaphore, #tpu.memory_space<semaphore_mem>>)
      %slice3A_161 = vector.extract_strided_slice %get3A_106 {offsets = [3], sizes = [1], strides = [1]} : vector<16xi32> to vector<1xi32>
      %squeeze3A_162 = vector.extract %slice3A_161[0] : i32 from vector<1xi32>
      %mul3A_163 = arith.constant 16 : i32
      %mul3A_164 = arith.muli %scan3A_103, %mul3A_163 : i32
      %add3A_165 = arith.addi %mul3A_2, %mul3A_164 : i32
      %add3A_166 = arith.constant 3 : i32
      %add3A_167 = arith.addi %add3A_165, %add3A_166 : i32
      %dma_start3A_168 = arith.constant 0 : i32
      %dma_start3A_169 = tpu.memref_slice %arg5[%squeeze3A_162, %dma_start3A_168] : memref<27x729xf32, #tpu.memory_space<vmem>> -> memref<1x729xf32, #tpu.memory_space<vmem>>
      %dma_start3A_170 = tpu.memref_squeeze %dma_start3A_169 : memref<1x729xf32, #tpu.memory_space<vmem>> -> memref<729xf32, #tpu.memory_space<vmem>>
      %dma_start3A_171 = arith.constant 0 : i32
      %dma_start3A_172 = tpu.memref_slice %arg4[%add3A_167, %dma_start3A_171] : memref<16384x729xf32, #tpu.memory_space<hbm>> -> memref<1x729xf32, #tpu.memory_space<hbm>>
      %dma_start3A_173 = tpu.memref_squeeze %dma_start3A_172 : memref<1x729xf32, #tpu.memory_space<hbm>> -> memref<729xf32, #tpu.memory_space<hbm>>
      %dma_start3A_174 = arith.constant 0 : i32
      %dma_start3A_175 = tpu.memref_slice %arg4[%add3A_167, %dma_start3A_174] : memref<16384x729xf32, #tpu.memory_space<hbm>> -> memref<1x729xf32, #tpu.memory_space<hbm>>
      %dma_start3A_176 = tpu.memref_squeeze %dma_start3A_175 : memref<1x729xf32, #tpu.memory_space<hbm>> -> memref<729xf32, #tpu.memory_space<hbm>>
      %dma_start3A_177 = arith.constant 0 : i32
      %dma_start3A_178 = tpu.memref_slice %arg5[%squeeze3A_162, %dma_start3A_177] : memref<27x729xf32, #tpu.memory_space<vmem>> -> memref<1x729xf32, #tpu.memory_space<vmem>>
      %dma_start3A_179 = tpu.memref_squeeze %dma_start3A_178 : memref<1x729xf32, #tpu.memory_space<vmem>> -> memref<729xf32, #tpu.memory_space<vmem>>
      tpu.enqueue_dma source(%dma_start3A_179 : memref<729xf32, #tpu.memory_space<vmem>>) target(%dma_start3A_176 : memref<729xf32, #tpu.memory_space<hbm>>) target_semaphore(%arg7 : memref<!tpu.dma_semaphore, #tpu.memory_space<semaphore_mem>>)
      %slice3A_180 = vector.extract_strided_slice %get3A_106 {offsets = [4], sizes = [1], strides = [1]} : vector<16xi32> to vector<1xi32>
      %squeeze3A_181 = vector.extract %slice3A_180[0] : i32 from vector<1xi32>
      %mul3A_182 = arith.constant 16 : i32
      %mul3A_183 = arith.muli %scan3A_103, %mul3A_182 : i32
      %add3A_184 = arith.addi %mul3A_2, %mul3A_183 : i32
      %add3A_185 = arith.constant 4 : i32
      %add3A_186 = arith.addi %add3A_184, %add3A_185 : i32
      %dma_start3A_187 = arith.constant 0 : i32
      %dma_start3A_188 = tpu.memref_slice %arg5[%squeeze3A_181, %dma_start3A_187] : memref<27x729xf32, #tpu.memory_space<vmem>> -> memref<1x729xf32, #tpu.memory_space<vmem>>
      %dma_start3A_189 = tpu.memref_squeeze %dma_start3A_188 : memref<1x729xf32, #tpu.memory_space<vmem>> -> memref<729xf32, #tpu.memory_space<vmem>>
      %dma_start3A_190 = arith.constant 0 : i32
      %dma_start3A_191 = tpu.memref_slice %arg4[%add3A_186, %dma_start3A_190] : memref<16384x729xf32, #tpu.memory_space<hbm>> -> memref<1x729xf32, #tpu.memory_space<hbm>>
      %dma_start3A_192 = tpu.memref_squeeze %dma_start3A_191 : memref<1x729xf32, #tpu.memory_space<hbm>> -> memref<729xf32, #tpu.memory_space<hbm>>
      %dma_start3A_193 = arith.constant 0 : i32
      %dma_start3A_194 = tpu.memref_slice %arg4[%add3A_186, %dma_start3A_193] : memref<16384x729xf32, #tpu.memory_space<hbm>> -> memref<1x729xf32, #tpu.memory_space<hbm>>
      %dma_start3A_195 = tpu.memref_squeeze %dma_start3A_194 : memref<1x729xf32, #tpu.memory_space<hbm>> -> memref<729xf32, #tpu.memory_space<hbm>>
      %dma_start3A_196 = arith.constant 0 : i32
      %dma_start3A_197 = tpu.memref_slice %arg5[%squeeze3A_181, %dma_start3A_196] : memref<27x729xf32, #tpu.memory_space<vmem>> -> memref<1x729xf32, #tpu.memory_space<vmem>>
      %dma_start3A_198 = tpu.memref_squeeze %dma_start3A_197 : memref<1x729xf32, #tpu.memory_space<vmem>> -> memref<729xf32, #tpu.memory_space<vmem>>
      tpu.enqueue_dma source(%dma_start3A_198 : memref<729xf32, #tpu.memory_space<vmem>>) target(%dma_start3A_195 : memref<729xf32, #tpu.memory_space<hbm>>) target_semaphore(%arg7 : memref<!tpu.dma_semaphore, #tpu.memory_space<semaphore_mem>>)
      %slice3A_199 = vector.extract_strided_slice %get3A_106 {offsets = [5], sizes = [1], strides = [1]} : vector<16xi32> to vector<1xi32>
      %squeeze3A_200 = vector.extract %slice3A_199[0] : i32 from vector<1xi32>
      %mul3A_201 = arith.constant 16 : i32
      %mul3A_202 = arith.muli %scan3A_103, %mul3A_201 : i32
      %add3A_203 = arith.addi %mul3A_2, %mul3A_202 : i32
      %add3A_204 = arith.constant 5 : i32
      %add3A_205 = arith.addi %add3A_203, %add3A_204 : i32
      %dma_start3A_206 = arith.constant 0 : i32
      %dma_start3A_207 = tpu.memref_slice %arg5[%squeeze3A_200, %dma_start3A_206] : memref<27x729xf32, #tpu.memory_space<vmem>> -> memref<1x729xf32, #tpu.memory_space<vmem>>
      %dma_start3A_208 = tpu.memref_squeeze %dma_start3A_207 : memref<1x729xf32, #tpu.memory_space<vmem>> -> memref<729xf32, #tpu.memory_space<vmem>>
      %dma_start3A_209 = arith.constant 0 : i32
      %dma_start3A_210 = tpu.memref_slice %arg4[%add3A_205, %dma_start3A_209] : memref<16384x729xf32, #tpu.memory_space<hbm>> -> memref<1x729xf32, #tpu.memory_space<hbm>>
      %dma_start3A_211 = tpu.memref_squeeze %dma_start3A_210 : memref<1x729xf32, #tpu.memory_space<hbm>> -> memref<729xf32, #tpu.memory_space<hbm>>
      %dma_start3A_212 = arith.constant 0 : i32
      %dma_start3A_213 = tpu.memref_slice %arg4[%add3A_205, %dma_start3A_212] : memref<16384x729xf32, #tpu.memory_space<hbm>> -> memref<1x729xf32, #tpu.memory_space<hbm>>
      %dma_start3A_214 = tpu.memref_squeeze %dma_start3A_213 : memref<1x729xf32, #tpu.memory_space<hbm>> -> memref<729xf32, #tpu.memory_space<hbm>>
      %dma_start3A_215 = arith.constant 0 : i32
      %dma_start3A_216 = tpu.memref_slice %arg5[%squeeze3A_200, %dma_start3A_215] : memref<27x729xf32, #tpu.memory_space<vmem>> -> memref<1x729xf32, #tpu.memory_space<vmem>>
      %dma_start3A_217 = tpu.memref_squeeze %dma_start3A_216 : memref<1x729xf32, #tpu.memory_space<vmem>> -> memref<729xf32, #tpu.memory_space<vmem>>
      tpu.enqueue_dma source(%dma_start3A_217 : memref<729xf32, #tpu.memory_space<vmem>>) target(%dma_start3A_214 : memref<729xf32, #tpu.memory_space<hbm>>) target_semaphore(%arg7 : memref<!tpu.dma_semaphore, #tpu.memory_space<semaphore_mem>>)
      %slice3A_218 = vector.extract_strided_slice %get3A_106 {offsets = [6], sizes = [1], strides = [1]} : vector<16xi32> to vector<1xi32>
      %squeeze3A_219 = vector.extract %slice3A_218[0] : i32 from vector<1xi32>
      %mul3A_220 = arith.constant 16 : i32
      %mul3A_221 = arith.muli %scan3A_103, %mul3A_220 : i32
      %add3A_222 = arith.addi %mul3A_2, %mul3A_221 : i32
      %add3A_223 = arith.constant 6 : i32
      %add3A_224 = arith.addi %add3A_222, %add3A_223 : i32
      %dma_start3A_225 = arith.constant 0 : i32
      %dma_start3A_226 = tpu.memref_slice %arg5[%squeeze3A_219, %dma_start3A_225] : memref<27x729xf32, #tpu.memory_space<vmem>> -> memref<1x729xf32, #tpu.memory_space<vmem>>
      %dma_start3A_227 = tpu.memref_squeeze %dma_start3A_226 : memref<1x729xf32, #tpu.memory_space<vmem>> -> memref<729xf32, #tpu.memory_space<vmem>>
      %dma_start3A_228 = arith.constant 0 : i32
      %dma_start3A_229 = tpu.memref_slice %arg4[%add3A_224, %dma_start3A_228] : memref<16384x729xf32, #tpu.memory_space<hbm>> -> memref<1x729xf32, #tpu.memory_space<hbm>>
      %dma_start3A_230 = tpu.memref_squeeze %dma_start3A_229 : memref<1x729xf32, #tpu.memory_space<hbm>> -> memref<729xf32, #tpu.memory_space<hbm>>
      %dma_start3A_231 = arith.constant 0 : i32
      %dma_start3A_232 = tpu.memref_slice %arg4[%add3A_224, %dma_start3A_231] : memref<16384x729xf32, #tpu.memory_space<hbm>> -> memref<1x729xf32, #tpu.memory_space<hbm>>
      %dma_start3A_233 = tpu.memref_squeeze %dma_start3A_232 : memref<1x729xf32, #tpu.memory_space<hbm>> -> memref<729xf32, #tpu.memory_space<hbm>>
      %dma_start3A_234 = arith.constant 0 : i32
      %dma_start3A_235 = tpu.memref_slice %arg5[%squeeze3A_219, %dma_start3A_234] : memref<27x729xf32, #tpu.memory_space<vmem>> -> memref<1x729xf32, #tpu.memory_space<vmem>>
      %dma_start3A_236 = tpu.memref_squeeze %dma_start3A_235 : memref<1x729xf32, #tpu.memory_space<vmem>> -> memref<729xf32, #tpu.memory_space<vmem>>
      tpu.enqueue_dma source(%dma_start3A_236 : memref<729xf32, #tpu.memory_space<vmem>>) target(%dma_start3A_233 : memref<729xf32, #tpu.memory_space<hbm>>) target_semaphore(%arg7 : memref<!tpu.dma_semaphore, #tpu.memory_space<semaphore_mem>>)
      %slice3A_237 = vector.extract_strided_slice %get3A_106 {offsets = [7], sizes = [1], strides = [1]} : vector<16xi32> to vector<1xi32>
      %squeeze3A_238 = vector.extract %slice3A_237[0] : i32 from vector<1xi32>
      %mul3A_239 = arith.constant 16 : i32
      %mul3A_240 = arith.muli %scan3A_103, %mul3A_239 : i32
      %add3A_241 = arith.addi %mul3A_2, %mul3A_240 : i32
      %add3A_242 = arith.constant 7 : i32
      %add3A_243 = arith.addi %add3A_241, %add3A_242 : i32
      %dma_start3A_244 = arith.constant 0 : i32
      %dma_start3A_245 = tpu.memref_slice %arg5[%squeeze3A_238, %dma_start3A_244] : memref<27x729xf32, #tpu.memory_space<vmem>> -> memref<1x729xf32, #tpu.memory_space<vmem>>
      %dma_start3A_246 = tpu.memref_squeeze %dma_start3A_245 : memref<1x729xf32, #tpu.memory_space<vmem>> -> memref<729xf32, #tpu.memory_space<vmem>>
      %dma_start3A_247 = arith.constant 0 : i32
      %dma_start3A_248 = tpu.memref_slice %arg4[%add3A_243, %dma_start3A_247] : memref<16384x729xf32, #tpu.memory_space<hbm>> -> memref<1x729xf32, #tpu.memory_space<hbm>>
      %dma_start3A_249 = tpu.memref_squeeze %dma_start3A_248 : memref<1x729xf32, #tpu.memory_space<hbm>> -> memref<729xf32, #tpu.memory_space<hbm>>
      %dma_start3A_250 = arith.constant 0 : i32
      %dma_start3A_251 = tpu.memref_slice %arg4[%add3A_243, %dma_start3A_250] : memref<16384x729xf32, #tpu.memory_space<hbm>> -> memref<1x729xf32, #tpu.memory_space<hbm>>
      %dma_start3A_252 = tpu.memref_squeeze %dma_start3A_251 : memref<1x729xf32, #tpu.memory_space<hbm>> -> memref<729xf32, #tpu.memory_space<hbm>>
      %dma_start3A_253 = arith.constant 0 : i32
      %dma_start3A_254 = tpu.memref_slice %arg5[%squeeze3A_238, %dma_start3A_253] : memref<27x729xf32, #tpu.memory_space<vmem>> -> memref<1x729xf32, #tpu.memory_space<vmem>>
      %dma_start3A_255 = tpu.memref_squeeze %dma_start3A_254 : memref<1x729xf32, #tpu.memory_space<vmem>> -> memref<729xf32, #tpu.memory_space<vmem>>
      tpu.enqueue_dma source(%dma_start3A_255 : memref<729xf32, #tpu.memory_space<vmem>>) target(%dma_start3A_252 : memref<729xf32, #tpu.memory_space<hbm>>) target_semaphore(%arg7 : memref<!tpu.dma_semaphore, #tpu.memory_space<semaphore_mem>>)
      %slice3A_256 = vector.extract_strided_slice %get3A_106 {offsets = [8], sizes = [1], strides = [1]} : vector<16xi32> to vector<1xi32>
      %squeeze3A_257 = vector.extract %slice3A_256[0] : i32 from vector<1xi32>
      %mul3A_258 = arith.constant 16 : i32
      %mul3A_259 = arith.muli %scan3A_103, %mul3A_258 : i32
      %add3A_260 = arith.addi %mul3A_2, %mul3A_259 : i32
      %add3A_261 = arith.constant 8 : i32
      %add3A_262 = arith.addi %add3A_260, %add3A_261 : i32
      %dma_start3A_263 = arith.constant 0 : i32
      %dma_start3A_264 = tpu.memref_slice %arg5[%squeeze3A_257, %dma_start3A_263] : memref<27x729xf32, #tpu.memory_space<vmem>> -> memref<1x729xf32, #tpu.memory_space<vmem>>
      %dma_start3A_265 = tpu.memref_squeeze %dma_start3A_264 : memref<1x729xf32, #tpu.memory_space<vmem>> -> memref<729xf32, #tpu.memory_space<vmem>>
      %dma_start3A_266 = arith.constant 0 : i32
      %dma_start3A_267 = tpu.memref_slice %arg4[%add3A_262, %dma_start3A_266] : memref<16384x729xf32, #tpu.memory_space<hbm>> -> memref<1x729xf32, #tpu.memory_space<hbm>>
      %dma_start3A_268 = tpu.memref_squeeze %dma_start3A_267 : memref<1x729xf32, #tpu.memory_space<hbm>> -> memref<729xf32, #tpu.memory_space<hbm>>
      %dma_start3A_269 = arith.constant 0 : i32
      %dma_start3A_270 = tpu.memref_slice %arg4[%add3A_262, %dma_start3A_269] : memref<16384x729xf32, #tpu.memory_space<hbm>> -> memref<1x729xf32, #tpu.memory_space<hbm>>
      %dma_start3A_271 = tpu.memref_squeeze %dma_start3A_270 : memref<1x729xf32, #tpu.memory_space<hbm>> -> memref<729xf32, #tpu.memory_space<hbm>>
      %dma_start3A_272 = arith.constant 0 : i32
      %dma_start3A_273 = tpu.memref_slice %arg5[%squeeze3A_257, %dma_start3A_272] : memref<27x729xf32, #tpu.memory_space<vmem>> -> memref<1x729xf32, #tpu.memory_space<vmem>>
      %dma_start3A_274 = tpu.memref_squeeze %dma_start3A_273 : memref<1x729xf32, #tpu.memory_space<vmem>> -> memref<729xf32, #tpu.memory_space<vmem>>
      tpu.enqueue_dma source(%dma_start3A_274 : memref<729xf32, #tpu.memory_space<vmem>>) target(%dma_start3A_271 : memref<729xf32, #tpu.memory_space<hbm>>) target_semaphore(%arg7 : memref<!tpu.dma_semaphore, #tpu.memory_space<semaphore_mem>>)
      %slice3A_275 = vector.extract_strided_slice %get3A_106 {offsets = [9], sizes = [1], strides = [1]} : vector<16xi32> to vector<1xi32>
      %squeeze3A_276 = vector.extract %slice3A_275[0] : i32 from vector<1xi32>
      %mul3A_277 = arith.constant 16 : i32
      %mul3A_278 = arith.muli %scan3A_103, %mul3A_277 : i32
      %add3A_279 = arith.addi %mul3A_2, %mul3A_278 : i32
      %add3A_280 = arith.constant 9 : i32
      %add3A_281 = arith.addi %add3A_279, %add3A_280 : i32
      %dma_start3A_282 = arith.constant 0 : i32
      %dma_start3A_283 = tpu.memref_slice %arg5[%squeeze3A_276, %dma_start3A_282] : memref<27x729xf32, #tpu.memory_space<vmem>> -> memref<1x729xf32, #tpu.memory_space<vmem>>
      %dma_start3A_284 = tpu.memref_squeeze %dma_start3A_283 : memref<1x729xf32, #tpu.memory_space<vmem>> -> memref<729xf32, #tpu.memory_space<vmem>>
      %dma_start3A_285 = arith.constant 0 : i32
      %dma_start3A_286 = tpu.memref_slice %arg4[%add3A_281, %dma_start3A_285] : memref<16384x729xf32, #tpu.memory_space<hbm>> -> memref<1x729xf32, #tpu.memory_space<hbm>>
      %dma_start3A_287 = tpu.memref_squeeze %dma_start3A_286 : memref<1x729xf32, #tpu.memory_space<hbm>> -> memref<729xf32, #tpu.memory_space<hbm>>
      %dma_start3A_288 = arith.constant 0 : i32
      %dma_start3A_289 = tpu.memref_slice %arg4[%add3A_281, %dma_start3A_288] : memref<16384x729xf32, #tpu.memory_space<hbm>> -> memref<1x729xf32, #tpu.memory_space<hbm>>
      %dma_start3A_290 = tpu.memref_squeeze %dma_start3A_289 : memref<1x729xf32, #tpu.memory_space<hbm>> -> memref<729xf32, #tpu.memory_space<hbm>>
      %dma_start3A_291 = arith.constant 0 : i32
      %dma_start3A_292 = tpu.memref_slice %arg5[%squeeze3A_276, %dma_start3A_291] : memref<27x729xf32, #tpu.memory_space<vmem>> -> memref<1x729xf32, #tpu.memory_space<vmem>>
      %dma_start3A_293 = tpu.memref_squeeze %dma_start3A_292 : memref<1x729xf32, #tpu.memory_space<vmem>> -> memref<729xf32, #tpu.memory_space<vmem>>
      tpu.enqueue_dma source(%dma_start3A_293 : memref<729xf32, #tpu.memory_space<vmem>>) target(%dma_start3A_290 : memref<729xf32, #tpu.memory_space<hbm>>) target_semaphore(%arg7 : memref<!tpu.dma_semaphore, #tpu.memory_space<semaphore_mem>>)
      %slice3A_294 = vector.extract_strided_slice %get3A_106 {offsets = [10], sizes = [1], strides = [1]} : vector<16xi32> to vector<1xi32>
      %squeeze3A_295 = vector.extract %slice3A_294[0] : i32 from vector<1xi32>
      %mul3A_296 = arith.constant 16 : i32
      %mul3A_297 = arith.muli %scan3A_103, %mul3A_296 : i32
      %add3A_298 = arith.addi %mul3A_2, %mul3A_297 : i32
      %add3A_299 = arith.constant 10 : i32
      %add3A_300 = arith.addi %add3A_298, %add3A_299 : i32
      %dma_start3A_301 = arith.constant 0 : i32
      %dma_start3A_302 = tpu.memref_slice %arg5[%squeeze3A_295, %dma_start3A_301] : memref<27x729xf32, #tpu.memory_space<vmem>> -> memref<1x729xf32, #tpu.memory_space<vmem>>
      %dma_start3A_303 = tpu.memref_squeeze %dma_start3A_302 : memref<1x729xf32, #tpu.memory_space<vmem>> -> memref<729xf32, #tpu.memory_space<vmem>>
      %dma_start3A_304 = arith.constant 0 : i32
      %dma_start3A_305 = tpu.memref_slice %arg4[%add3A_300, %dma_start3A_304] : memref<16384x729xf32, #tpu.memory_space<hbm>> -> memref<1x729xf32, #tpu.memory_space<hbm>>
      %dma_start3A_306 = tpu.memref_squeeze %dma_start3A_305 : memref<1x729xf32, #tpu.memory_space<hbm>> -> memref<729xf32, #tpu.memory_space<hbm>>
      %dma_start3A_307 = arith.constant 0 : i32
      %dma_start3A_308 = tpu.memref_slice %arg4[%add3A_300, %dma_start3A_307] : memref<16384x729xf32, #tpu.memory_space<hbm>> -> memref<1x729xf32, #tpu.memory_space<hbm>>
      %dma_start3A_309 = tpu.memref_squeeze %dma_start3A_308 : memref<1x729xf32, #tpu.memory_space<hbm>> -> memref<729xf32, #tpu.memory_space<hbm>>
      %dma_start3A_310 = arith.constant 0 : i32
      %dma_start3A_311 = tpu.memref_slice %arg5[%squeeze3A_295, %dma_start3A_310] : memref<27x729xf32, #tpu.memory_space<vmem>> -> memref<1x729xf32, #tpu.memory_space<vmem>>
      %dma_start3A_312 = tpu.memref_squeeze %dma_start3A_311 : memref<1x729xf32, #tpu.memory_space<vmem>> -> memref<729xf32, #tpu.memory_space<vmem>>
      tpu.enqueue_dma source(%dma_start3A_312 : memref<729xf32, #tpu.memory_space<vmem>>) target(%dma_start3A_309 : memref<729xf32, #tpu.memory_space<hbm>>) target_semaphore(%arg7 : memref<!tpu.dma_semaphore, #tpu.memory_space<semaphore_mem>>)
      %slice3A_313 = vector.extract_strided_slice %get3A_106 {offsets = [11], sizes = [1], strides = [1]} : vector<16xi32> to vector<1xi32>
      %squeeze3A_314 = vector.extract %slice3A_313[0] : i32 from vector<1xi32>
      %mul3A_315 = arith.constant 16 : i32
      %mul3A_316 = arith.muli %scan3A_103, %mul3A_315 : i32
      %add3A_317 = arith.addi %mul3A_2, %mul3A_316 : i32
      %add3A_318 = arith.constant 11 : i32
      %add3A_319 = arith.addi %add3A_317, %add3A_318 : i32
      %dma_start3A_320 = arith.constant 0 : i32
      %dma_start3A_321 = tpu.memref_slice %arg5[%squeeze3A_314, %dma_start3A_320] : memref<27x729xf32, #tpu.memory_space<vmem>> -> memref<1x729xf32, #tpu.memory_space<vmem>>
      %dma_start3A_322 = tpu.memref_squeeze %dma_start3A_321 : memref<1x729xf32, #tpu.memory_space<vmem>> -> memref<729xf32, #tpu.memory_space<vmem>>
      %dma_start3A_323 = arith.constant 0 : i32
      %dma_start3A_324 = tpu.memref_slice %arg4[%add3A_319, %dma_start3A_323] : memref<16384x729xf32, #tpu.memory_space<hbm>> -> memref<1x729xf32, #tpu.memory_space<hbm>>
      %dma_start3A_325 = tpu.memref_squeeze %dma_start3A_324 : memref<1x729xf32, #tpu.memory_space<hbm>> -> memref<729xf32, #tpu.memory_space<hbm>>
      %dma_start3A_326 = arith.constant 0 : i32
      %dma_start3A_327 = tpu.memref_slice %arg4[%add3A_319, %dma_start3A_326] : memref<16384x729xf32, #tpu.memory_space<hbm>> -> memref<1x729xf32, #tpu.memory_space<hbm>>
      %dma_start3A_328 = tpu.memref_squeeze %dma_start3A_327 : memref<1x729xf32, #tpu.memory_space<hbm>> -> memref<729xf32, #tpu.memory_space<hbm>>
      %dma_start3A_329 = arith.constant 0 : i32
      %dma_start3A_330 = tpu.memref_slice %arg5[%squeeze3A_314, %dma_start3A_329] : memref<27x729xf32, #tpu.memory_space<vmem>> -> memref<1x729xf32, #tpu.memory_space<vmem>>
      %dma_start3A_331 = tpu.memref_squeeze %dma_start3A_330 : memref<1x729xf32, #tpu.memory_space<vmem>> -> memref<729xf32, #tpu.memory_space<vmem>>
      tpu.enqueue_dma source(%dma_start3A_331 : memref<729xf32, #tpu.memory_space<vmem>>) target(%dma_start3A_328 : memref<729xf32, #tpu.memory_space<hbm>>) target_semaphore(%arg7 : memref<!tpu.dma_semaphore, #tpu.memory_space<semaphore_mem>>)
      %slice3A_332 = vector.extract_strided_slice %get3A_106 {offsets = [12], sizes = [1], strides = [1]} : vector<16xi32> to vector<1xi32>
      %squeeze3A_333 = vector.extract %slice3A_332[0] : i32 from vector<1xi32>
      %mul3A_334 = arith.constant 16 : i32
      %mul3A_335 = arith.muli %scan3A_103, %mul3A_334 : i32
      %add3A_336 = arith.addi %mul3A_2, %mul3A_335 : i32
      %add3A_337 = arith.constant 12 : i32
      %add3A_338 = arith.addi %add3A_336, %add3A_337 : i32
      %dma_start3A_339 = arith.constant 0 : i32
      %dma_start3A_340 = tpu.memref_slice %arg5[%squeeze3A_333, %dma_start3A_339] : memref<27x729xf32, #tpu.memory_space<vmem>> -> memref<1x729xf32, #tpu.memory_space<vmem>>
      %dma_start3A_341 = tpu.memref_squeeze %dma_start3A_340 : memref<1x729xf32, #tpu.memory_space<vmem>> -> memref<729xf32, #tpu.memory_space<vmem>>
      %dma_start3A_342 = arith.constant 0 : i32
      %dma_start3A_343 = tpu.memref_slice %arg4[%add3A_338, %dma_start3A_342] : memref<16384x729xf32, #tpu.memory_space<hbm>> -> memref<1x729xf32, #tpu.memory_space<hbm>>
      %dma_start3A_344 = tpu.memref_squeeze %dma_start3A_343 : memref<1x729xf32, #tpu.memory_space<hbm>> -> memref<729xf32, #tpu.memory_space<hbm>>
      %dma_start3A_345 = arith.constant 0 : i32
      %dma_start3A_346 = tpu.memref_slice %arg4[%add3A_338, %dma_start3A_345] : memref<16384x729xf32, #tpu.memory_space<hbm>> -> memref<1x729xf32, #tpu.memory_space<hbm>>
      %dma_start3A_347 = tpu.memref_squeeze %dma_start3A_346 : memref<1x729xf32, #tpu.memory_space<hbm>> -> memref<729xf32, #tpu.memory_space<hbm>>
      %dma_start3A_348 = arith.constant 0 : i32
      %dma_start3A_349 = tpu.memref_slice %arg5[%squeeze3A_333, %dma_start3A_348] : memref<27x729xf32, #tpu.memory_space<vmem>> -> memref<1x729xf32, #tpu.memory_space<vmem>>
      %dma_start3A_350 = tpu.memref_squeeze %dma_start3A_349 : memref<1x729xf32, #tpu.memory_space<vmem>> -> memref<729xf32, #tpu.memory_space<vmem>>
      tpu.enqueue_dma source(%dma_start3A_350 : memref<729xf32, #tpu.memory_space<vmem>>) target(%dma_start3A_347 : memref<729xf32, #tpu.memory_space<hbm>>) target_semaphore(%arg7 : memref<!tpu.dma_semaphore, #tpu.memory_space<semaphore_mem>>)
      %slice3A_351 = vector.extract_strided_slice %get3A_106 {offsets = [13], sizes = [1], strides = [1]} : vector<16xi32> to vector<1xi32>
      %squeeze3A_352 = vector.extract %slice3A_351[0] : i32 from vector<1xi32>
      %mul3A_353 = arith.constant 16 : i32
      %mul3A_354 = arith.muli %scan3A_103, %mul3A_353 : i32
      %add3A_355 = arith.addi %mul3A_2, %mul3A_354 : i32
      %add3A_356 = arith.constant 13 : i32
      %add3A_357 = arith.addi %add3A_355, %add3A_356 : i32
      %dma_start3A_358 = arith.constant 0 : i32
      %dma_start3A_359 = tpu.memref_slice %arg5[%squeeze3A_352, %dma_start3A_358] : memref<27x729xf32, #tpu.memory_space<vmem>> -> memref<1x729xf32, #tpu.memory_space<vmem>>
      %dma_start3A_360 = tpu.memref_squeeze %dma_start3A_359 : memref<1x729xf32, #tpu.memory_space<vmem>> -> memref<729xf32, #tpu.memory_space<vmem>>
      %dma_start3A_361 = arith.constant 0 : i32
      %dma_start3A_362 = tpu.memref_slice %arg4[%add3A_357, %dma_start3A_361] : memref<16384x729xf32, #tpu.memory_space<hbm>> -> memref<1x729xf32, #tpu.memory_space<hbm>>
      %dma_start3A_363 = tpu.memref_squeeze %dma_start3A_362 : memref<1x729xf32, #tpu.memory_space<hbm>> -> memref<729xf32, #tpu.memory_space<hbm>>
      %dma_start3A_364 = arith.constant 0 : i32
      %dma_start3A_365 = tpu.memref_slice %arg4[%add3A_357, %dma_start3A_364] : memref<16384x729xf32, #tpu.memory_space<hbm>> -> memref<1x729xf32, #tpu.memory_space<hbm>>
      %dma_start3A_366 = tpu.memref_squeeze %dma_start3A_365 : memref<1x729xf32, #tpu.memory_space<hbm>> -> memref<729xf32, #tpu.memory_space<hbm>>
      %dma_start3A_367 = arith.constant 0 : i32
      %dma_start3A_368 = tpu.memref_slice %arg5[%squeeze3A_352, %dma_start3A_367] : memref<27x729xf32, #tpu.memory_space<vmem>> -> memref<1x729xf32, #tpu.memory_space<vmem>>
      %dma_start3A_369 = tpu.memref_squeeze %dma_start3A_368 : memref<1x729xf32, #tpu.memory_space<vmem>> -> memref<729xf32, #tpu.memory_space<vmem>>
      tpu.enqueue_dma source(%dma_start3A_369 : memref<729xf32, #tpu.memory_space<vmem>>) target(%dma_start3A_366 : memref<729xf32, #tpu.memory_space<hbm>>) target_semaphore(%arg7 : memref<!tpu.dma_semaphore, #tpu.memory_space<semaphore_mem>>)
      %slice3A_370 = vector.extract_strided_slice %get3A_106 {offsets = [14], sizes = [1], strides = [1]} : vector<16xi32> to vector<1xi32>
      %squeeze3A_371 = vector.extract %slice3A_370[0] : i32 from vector<1xi32>
      %mul3A_372 = arith.constant 16 : i32
      %mul3A_373 = arith.muli %scan3A_103, %mul3A_372 : i32
      %add3A_374 = arith.addi %mul3A_2, %mul3A_373 : i32
      %add3A_375 = arith.constant 14 : i32
      %add3A_376 = arith.addi %add3A_374, %add3A_375 : i32
      %dma_start3A_377 = arith.constant 0 : i32
      %dma_start3A_378 = tpu.memref_slice %arg5[%squeeze3A_371, %dma_start3A_377] : memref<27x729xf32, #tpu.memory_space<vmem>> -> memref<1x729xf32, #tpu.memory_space<vmem>>
      %dma_start3A_379 = tpu.memref_squeeze %dma_start3A_378 : memref<1x729xf32, #tpu.memory_space<vmem>> -> memref<729xf32, #tpu.memory_space<vmem>>
      %dma_start3A_380 = arith.constant 0 : i32
      %dma_start3A_381 = tpu.memref_slice %arg4[%add3A_376, %dma_start3A_380] : memref<16384x729xf32, #tpu.memory_space<hbm>> -> memref<1x729xf32, #tpu.memory_space<hbm>>
      %dma_start3A_382 = tpu.memref_squeeze %dma_start3A_381 : memref<1x729xf32, #tpu.memory_space<hbm>> -> memref<729xf32, #tpu.memory_space<hbm>>
      %dma_start3A_383 = arith.constant 0 : i32
      %dma_start3A_384 = tpu.memref_slice %arg4[%add3A_376, %dma_start3A_383] : memref<16384x729xf32, #tpu.memory_space<hbm>> -> memref<1x729xf32, #tpu.memory_space<hbm>>
      %dma_start3A_385 = tpu.memref_squeeze %dma_start3A_384 : memref<1x729xf32, #tpu.memory_space<hbm>> -> memref<729xf32, #tpu.memory_space<hbm>>
      %dma_start3A_386 = arith.constant 0 : i32
      %dma_start3A_387 = tpu.memref_slice %arg5[%squeeze3A_371, %dma_start3A_386] : memref<27x729xf32, #tpu.memory_space<vmem>> -> memref<1x729xf32, #tpu.memory_space<vmem>>
      %dma_start3A_388 = tpu.memref_squeeze %dma_start3A_387 : memref<1x729xf32, #tpu.memory_space<vmem>> -> memref<729xf32, #tpu.memory_space<vmem>>
      tpu.enqueue_dma source(%dma_start3A_388 : memref<729xf32, #tpu.memory_space<vmem>>) target(%dma_start3A_385 : memref<729xf32, #tpu.memory_space<hbm>>) target_semaphore(%arg7 : memref<!tpu.dma_semaphore, #tpu.memory_space<semaphore_mem>>)
      %slice3A_389 = vector.extract_strided_slice %get3A_106 {offsets = [15], sizes = [1], strides = [1]} : vector<16xi32> to vector<1xi32>
      %squeeze3A_390 = vector.extract %slice3A_389[0] : i32 from vector<1xi32>
      %mul3A_391 = arith.constant 16 : i32
      %mul3A_392 = arith.muli %scan3A_103, %mul3A_391 : i32
      %add3A_393 = arith.addi %mul3A_2, %mul3A_392 : i32
      %add3A_394 = arith.constant 15 : i32
      %add3A_395 = arith.addi %add3A_393, %add3A_394 : i32
      %dma_start3A_396 = arith.constant 0 : i32
      %dma_start3A_397 = tpu.memref_slice %arg5[%squeeze3A_390, %dma_start3A_396] : memref<27x729xf32, #tpu.memory_space<vmem>> -> memref<1x729xf32, #tpu.memory_space<vmem>>
      %dma_start3A_398 = tpu.memref_squeeze %dma_start3A_397 : memref<1x729xf32, #tpu.memory_space<vmem>> -> memref<729xf32, #tpu.memory_space<vmem>>
      %dma_start3A_399 = arith.constant 0 : i32
      %dma_start3A_400 = tpu.memref_slice %arg4[%add3A_395, %dma_start3A_399] : memref<16384x729xf32, #tpu.memory_space<hbm>> -> memref<1x729xf32, #tpu.memory_space<hbm>>
      %dma_start3A_401 = tpu.memref_squeeze %dma_start3A_400 : memref<1x729xf32, #tpu.memory_space<hbm>> -> memref<729xf32, #tpu.memory_space<hbm>>
      %dma_start3A_402 = arith.constant 0 : i32
      %dma_start3A_403 = tpu.memref_slice %arg4[%add3A_395, %dma_start3A_402] : memref<16384x729xf32, #tpu.memory_space<hbm>> -> memref<1x729xf32, #tpu.memory_space<hbm>>
      %dma_start3A_404 = tpu.memref_squeeze %dma_start3A_403 : memref<1x729xf32, #tpu.memory_space<hbm>> -> memref<729xf32, #tpu.memory_space<hbm>>
      %dma_start3A_405 = arith.constant 0 : i32
      %dma_start3A_406 = tpu.memref_slice %arg5[%squeeze3A_390, %dma_start3A_405] : memref<27x729xf32, #tpu.memory_space<vmem>> -> memref<1x729xf32, #tpu.memory_space<vmem>>
      %dma_start3A_407 = tpu.memref_squeeze %dma_start3A_406 : memref<1x729xf32, #tpu.memory_space<vmem>> -> memref<729xf32, #tpu.memory_space<vmem>>
      tpu.enqueue_dma source(%dma_start3A_407 : memref<729xf32, #tpu.memory_space<vmem>>) target(%dma_start3A_404 : memref<729xf32, #tpu.memory_space<hbm>>) target_semaphore(%arg7 : memref<!tpu.dma_semaphore, #tpu.memory_space<semaphore_mem>>)
      %ge3A = arith.constant 8 : i32
      %ge3A_408 = arith.cmpi sge, %scan3A_103, %ge3A : i32
      %convert_element_type3A = arith.extui %ge3A_408 : i1 to i32
      %cond3A = arith.constant 0 : i32
      %cond3A_409 = arith.cmpi ne, %convert_element_type3A, %cond3A : i32
      scf.if %cond3A_409 {
        %dma_wait3A_410 = arith.constant 0 : i32
        %dma_wait3A_411 = arith.constant 0 : i32
        %dma_wait3A_412 = tpu.memref_slice %arg5[%dma_wait3A_410, %dma_wait3A_411] : memref<27x729xf32, #tpu.memory_space<vmem>> -> memref<16x729xf32, #tpu.memory_space<vmem>>
        %dma_wait3A_413 = arith.constant 0 : i32
        %dma_wait3A_414 = arith.constant 0 : i32
        %dma_wait3A_415 = tpu.memref_slice %arg3[%dma_wait3A_413, %dma_wait3A_414] : memref<27x729xf32, #tpu.memory_space<hbm>> -> memref<16x729xf32, #tpu.memory_space<hbm>>
        %dma_wait3A_416 = arith.constant 0 : i32
        %dma_wait3A_417 = arith.constant 0 : i32
        %dma_wait3A_418 = tpu.memref_slice %arg5[%dma_wait3A_416, %dma_wait3A_417] : memref<27x729xf32, #tpu.memory_space<vmem>> -> memref<16x729xf32, #tpu.memory_space<vmem>>
        %dma_wait3A_419 = arith.constant 0 : i32
        %dma_wait3A_420 = arith.constant 0 : i32
        %dma_wait3A_421 = tpu.memref_slice %arg3[%dma_wait3A_419, %dma_wait3A_420] : memref<27x729xf32, #tpu.memory_space<hbm>> -> memref<16x729xf32, #tpu.memory_space<hbm>>
        tpu.wait_dma2 semaphore(%arg7 : memref<!tpu.dma_semaphore, #tpu.memory_space<semaphore_mem>>) src(%dma_wait3A_421 : memref<16x729xf32, #tpu.memory_space<hbm>>) dst(%dma_wait3A_418 : memref<16x729xf32, #tpu.memory_space<vmem>>)
      } else {
      }
    }
    %scan3A_7 = arith.constant 32 : i32
    %dma_wait3A = arith.constant 0 : i32
    %dma_wait3A_8 = arith.constant 0 : i32
    %dma_wait3A_9 = tpu.memref_slice %arg5[%dma_wait3A, %dma_wait3A_8] : memref<27x729xf32, #tpu.memory_space<vmem>> -> memref<16x729xf32, #tpu.memory_space<vmem>>
    %dma_wait3A_10 = arith.constant 0 : i32
    %dma_wait3A_11 = arith.constant 0 : i32
    %dma_wait3A_12 = tpu.memref_slice %arg3[%dma_wait3A_10, %dma_wait3A_11] : memref<27x729xf32, #tpu.memory_space<hbm>> -> memref<16x729xf32, #tpu.memory_space<hbm>>
    %dma_wait3A_13 = arith.constant 0 : i32
    %dma_wait3A_14 = arith.constant 0 : i32
    %dma_wait3A_15 = tpu.memref_slice %arg5[%dma_wait3A_13, %dma_wait3A_14] : memref<27x729xf32, #tpu.memory_space<vmem>> -> memref<16x729xf32, #tpu.memory_space<vmem>>
    %dma_wait3A_16 = arith.constant 0 : i32
    %dma_wait3A_17 = arith.constant 0 : i32
    %dma_wait3A_18 = tpu.memref_slice %arg3[%dma_wait3A_16, %dma_wait3A_17] : memref<27x729xf32, #tpu.memory_space<hbm>> -> memref<16x729xf32, #tpu.memory_space<hbm>>
    tpu.wait_dma2 semaphore(%arg7 : memref<!tpu.dma_semaphore, #tpu.memory_space<semaphore_mem>>) src(%dma_wait3A_18 : memref<16x729xf32, #tpu.memory_space<hbm>>) dst(%dma_wait3A_15 : memref<16x729xf32, #tpu.memory_space<vmem>>)
    %dma_wait3A_19 = arith.constant 0 : i32
    %dma_wait3A_20 = arith.constant 0 : i32
    %dma_wait3A_21 = tpu.memref_slice %arg5[%dma_wait3A_19, %dma_wait3A_20] : memref<27x729xf32, #tpu.memory_space<vmem>> -> memref<16x729xf32, #tpu.memory_space<vmem>>
    %dma_wait3A_22 = arith.constant 0 : i32
    %dma_wait3A_23 = arith.constant 0 : i32
    %dma_wait3A_24 = tpu.memref_slice %arg3[%dma_wait3A_22, %dma_wait3A_23] : memref<27x729xf32, #tpu.memory_space<hbm>> -> memref<16x729xf32, #tpu.memory_space<hbm>>
    %dma_wait3A_25 = arith.constant 0 : i32
    %dma_wait3A_26 = arith.constant 0 : i32
    %dma_wait3A_27 = tpu.memref_slice %arg5[%dma_wait3A_25, %dma_wait3A_26] : memref<27x729xf32, #tpu.memory_space<vmem>> -> memref<16x729xf32, #tpu.memory_space<vmem>>
    %dma_wait3A_28 = arith.constant 0 : i32
    %dma_wait3A_29 = arith.constant 0 : i32
    %dma_wait3A_30 = tpu.memref_slice %arg3[%dma_wait3A_28, %dma_wait3A_29] : memref<27x729xf32, #tpu.memory_space<hbm>> -> memref<16x729xf32, #tpu.memory_space<hbm>>
    tpu.wait_dma2 semaphore(%arg7 : memref<!tpu.dma_semaphore, #tpu.memory_space<semaphore_mem>>) src(%dma_wait3A_30 : memref<16x729xf32, #tpu.memory_space<hbm>>) dst(%dma_wait3A_27 : memref<16x729xf32, #tpu.memory_space<vmem>>)
    %dma_wait3A_31 = arith.constant 0 : i32
    %dma_wait3A_32 = arith.constant 0 : i32
    %dma_wait3A_33 = tpu.memref_slice %arg5[%dma_wait3A_31, %dma_wait3A_32] : memref<27x729xf32, #tpu.memory_space<vmem>> -> memref<16x729xf32, #tpu.memory_space<vmem>>
    %dma_wait3A_34 = arith.constant 0 : i32
    %dma_wait3A_35 = arith.constant 0 : i32
    %dma_wait3A_36 = tpu.memref_slice %arg3[%dma_wait3A_34, %dma_wait3A_35] : memref<27x729xf32, #tpu.memory_space<hbm>> -> memref<16x729xf32, #tpu.memory_space<hbm>>
    %dma_wait3A_37 = arith.constant 0 : i32
    %dma_wait3A_38 = arith.constant 0 : i32
    %dma_wait3A_39 = tpu.memref_slice %arg5[%dma_wait3A_37, %dma_wait3A_38] : memref<27x729xf32, #tpu.memory_space<vmem>> -> memref<16x729xf32, #tpu.memory_space<vmem>>
    %dma_wait3A_40 = arith.constant 0 : i32
    %dma_wait3A_41 = arith.constant 0 : i32
    %dma_wait3A_42 = tpu.memref_slice %arg3[%dma_wait3A_40, %dma_wait3A_41] : memref<27x729xf32, #tpu.memory_space<hbm>> -> memref<16x729xf32, #tpu.memory_space<hbm>>
    tpu.wait_dma2 semaphore(%arg7 : memref<!tpu.dma_semaphore, #tpu.memory_space<semaphore_mem>>) src(%dma_wait3A_42 : memref<16x729xf32, #tpu.memory_space<hbm>>) dst(%dma_wait3A_39 : memref<16x729xf32, #tpu.memory_space<vmem>>)
    %dma_wait3A_43 = arith.constant 0 : i32
    %dma_wait3A_44 = arith.constant 0 : i32
    %dma_wait3A_45 = tpu.memref_slice %arg5[%dma_wait3A_43, %dma_wait3A_44] : memref<27x729xf32, #tpu.memory_space<vmem>> -> memref<16x729xf32, #tpu.memory_space<vmem>>
    %dma_wait3A_46 = arith.constant 0 : i32
    %dma_wait3A_47 = arith.constant 0 : i32
    %dma_wait3A_48 = tpu.memref_slice %arg3[%dma_wait3A_46, %dma_wait3A_47] : memref<27x729xf32, #tpu.memory_space<hbm>> -> memref<16x729xf32, #tpu.memory_space<hbm>>
    %dma_wait3A_49 = arith.constant 0 : i32
    %dma_wait3A_50 = arith.constant 0 : i32
    %dma_wait3A_51 = tpu.memref_slice %arg5[%dma_wait3A_49, %dma_wait3A_50] : memref<27x729xf32, #tpu.memory_space<vmem>> -> memref<16x729xf32, #tpu.memory_space<vmem>>
    %dma_wait3A_52 = arith.constant 0 : i32
    %dma_wait3A_53 = arith.constant 0 : i32
    %dma_wait3A_54 = tpu.memref_slice %arg3[%dma_wait3A_52, %dma_wait3A_53] : memref<27x729xf32, #tpu.memory_space<hbm>> -> memref<16x729xf32, #tpu.memory_space<hbm>>
    tpu.wait_dma2 semaphore(%arg7 : memref<!tpu.dma_semaphore, #tpu.memory_space<semaphore_mem>>) src(%dma_wait3A_54 : memref<16x729xf32, #tpu.memory_space<hbm>>) dst(%dma_wait3A_51 : memref<16x729xf32, #tpu.memory_space<vmem>>)
    %dma_wait3A_55 = arith.constant 0 : i32
    %dma_wait3A_56 = arith.constant 0 : i32
    %dma_wait3A_57 = tpu.memref_slice %arg5[%dma_wait3A_55, %dma_wait3A_56] : memref<27x729xf32, #tpu.memory_space<vmem>> -> memref<16x729xf32, #tpu.memory_space<vmem>>
    %dma_wait3A_58 = arith.constant 0 : i32
    %dma_wait3A_59 = arith.constant 0 : i32
    %dma_wait3A_60 = tpu.memref_slice %arg3[%dma_wait3A_58, %dma_wait3A_59] : memref<27x729xf32, #tpu.memory_space<hbm>> -> memref<16x729xf32, #tpu.memory_space<hbm>>
    %dma_wait3A_61 = arith.constant 0 : i32
    %dma_wait3A_62 = arith.constant 0 : i32
    %dma_wait3A_63 = tpu.memref_slice %arg5[%dma_wait3A_61, %dma_wait3A_62] : memref<27x729xf32, #tpu.memory_space<vmem>> -> memref<16x729xf32, #tpu.memory_space<vmem>>
    %dma_wait3A_64 = arith.constant 0 : i32
    %dma_wait3A_65 = arith.constant 0 : i32
    %dma_wait3A_66 = tpu.memref_slice %arg3[%dma_wait3A_64, %dma_wait3A_65] : memref<27x729xf32, #tpu.memory_space<hbm>> -> memref<16x729xf32, #tpu.memory_space<hbm>>
    tpu.wait_dma2 semaphore(%arg7 : memref<!tpu.dma_semaphore, #tpu.memory_space<semaphore_mem>>) src(%dma_wait3A_66 : memref<16x729xf32, #tpu.memory_space<hbm>>) dst(%dma_wait3A_63 : memref<16x729xf32, #tpu.memory_space<vmem>>)
    %dma_wait3A_67 = arith.constant 0 : i32
    %dma_wait3A_68 = arith.constant 0 : i32
    %dma_wait3A_69 = tpu.memref_slice %arg5[%dma_wait3A_67, %dma_wait3A_68] : memref<27x729xf32, #tpu.memory_space<vmem>> -> memref<16x729xf32, #tpu.memory_space<vmem>>
    %dma_wait3A_70 = arith.constant 0 : i32
    %dma_wait3A_71 = arith.constant 0 : i32
    %dma_wait3A_72 = tpu.memref_slice %arg3[%dma_wait3A_70, %dma_wait3A_71] : memref<27x729xf32, #tpu.memory_space<hbm>> -> memref<16x729xf32, #tpu.memory_space<hbm>>
    %dma_wait3A_73 = arith.constant 0 : i32
    %dma_wait3A_74 = arith.constant 0 : i32
    %dma_wait3A_75 = tpu.memref_slice %arg5[%dma_wait3A_73, %dma_wait3A_74] : memref<27x729xf32, #tpu.memory_space<vmem>> -> memref<16x729xf32, #tpu.memory_space<vmem>>
    %dma_wait3A_76 = arith.constant 0 : i32
    %dma_wait3A_77 = arith.constant 0 : i32
    %dma_wait3A_78 = tpu.memref_slice %arg3[%dma_wait3A_76, %dma_wait3A_77] : memref<27x729xf32, #tpu.memory_space<hbm>> -> memref<16x729xf32, #tpu.memory_space<hbm>>
    tpu.wait_dma2 semaphore(%arg7 : memref<!tpu.dma_semaphore, #tpu.memory_space<semaphore_mem>>) src(%dma_wait3A_78 : memref<16x729xf32, #tpu.memory_space<hbm>>) dst(%dma_wait3A_75 : memref<16x729xf32, #tpu.memory_space<vmem>>)
    %dma_wait3A_79 = arith.constant 0 : i32
    %dma_wait3A_80 = arith.constant 0 : i32
    %dma_wait3A_81 = tpu.memref_slice %arg5[%dma_wait3A_79, %dma_wait3A_80] : memref<27x729xf32, #tpu.memory_space<vmem>> -> memref<16x729xf32, #tpu.memory_space<vmem>>
    %dma_wait3A_82 = arith.constant 0 : i32
    %dma_wait3A_83 = arith.constant 0 : i32
    %dma_wait3A_84 = tpu.memref_slice %arg3[%dma_wait3A_82, %dma_wait3A_83] : memref<27x729xf32, #tpu.memory_space<hbm>> -> memref<16x729xf32, #tpu.memory_space<hbm>>
    %dma_wait3A_85 = arith.constant 0 : i32
    %dma_wait3A_86 = arith.constant 0 : i32
    %dma_wait3A_87 = tpu.memref_slice %arg5[%dma_wait3A_85, %dma_wait3A_86] : memref<27x729xf32, #tpu.memory_space<vmem>> -> memref<16x729xf32, #tpu.memory_space<vmem>>
    %dma_wait3A_88 = arith.constant 0 : i32
    %dma_wait3A_89 = arith.constant 0 : i32
    %dma_wait3A_90 = tpu.memref_slice %arg3[%dma_wait3A_88, %dma_wait3A_89] : memref<27x729xf32, #tpu.memory_space<hbm>> -> memref<16x729xf32, #tpu.memory_space<hbm>>
    tpu.wait_dma2 semaphore(%arg7 : memref<!tpu.dma_semaphore, #tpu.memory_space<semaphore_mem>>) src(%dma_wait3A_90 : memref<16x729xf32, #tpu.memory_space<hbm>>) dst(%dma_wait3A_87 : memref<16x729xf32, #tpu.memory_space<vmem>>)
    %dma_wait3A_91 = arith.constant 0 : i32
    %dma_wait3A_92 = arith.constant 0 : i32
    %dma_wait3A_93 = tpu.memref_slice %arg5[%dma_wait3A_91, %dma_wait3A_92] : memref<27x729xf32, #tpu.memory_space<vmem>> -> memref<16x729xf32, #tpu.memory_space<vmem>>
    %dma_wait3A_94 = arith.constant 0 : i32
    %dma_wait3A_95 = arith.constant 0 : i32
    %dma_wait3A_96 = tpu.memref_slice %arg3[%dma_wait3A_94, %dma_wait3A_95] : memref<27x729xf32, #tpu.memory_space<hbm>> -> memref<16x729xf32, #tpu.memory_space<hbm>>
    %dma_wait3A_97 = arith.constant 0 : i32
    %dma_wait3A_98 = arith.constant 0 : i32
    %dma_wait3A_99 = tpu.memref_slice %arg5[%dma_wait3A_97, %dma_wait3A_98] : memref<27x729xf32, #tpu.memory_space<vmem>> -> memref<16x729xf32, #tpu.memory_space<vmem>>
    %dma_wait3A_100 = arith.constant 0 : i32
    %dma_wait3A_101 = arith.constant 0 : i32
    %dma_wait3A_102 = tpu.memref_slice %arg3[%dma_wait3A_100, %dma_wait3A_101] : memref<27x729xf32, #tpu.memory_space<hbm>> -> memref<16x729xf32, #tpu.memory_space<hbm>>
    tpu.wait_dma2 semaphore(%arg7 : memref<!tpu.dma_semaphore, #tpu.memory_space<semaphore_mem>>) src(%dma_wait3A_102 : memref<16x729xf32, #tpu.memory_space<hbm>>) dst(%dma_wait3A_99 : memref<16x729xf32, #tpu.memory_space<vmem>>)
    return
  }
}

</mosaic_0001>

<sc_bundles>
// kernel: kernel.3.cloned.1.call-start
scs
__scs_entry_jumppad:
0x0: {  	(pc) =	sbr.rel $0x88, $3  }
0x1: {  	(tag) =	ssettag $0x0;
	lr =	simm.s32 $0x1  }
0x2: {  	[smem:$0x3F9F] =	sst lr;
	_ =	strace $0xD0000000  }
0x3: {  	_ = 	snop  }
0x4: {  	_ = 	snop  }
0x5: {  	_ = 	snop  }
0x6: {  	_ = 	snop  }
0x7: {  	_ = 	snop  }
__scs_overlays_trampoline_lowered:
0x8: {  	[smem:$0x3FAE] =	sst s0  }
0x9: {  	[smem:$0x3FAF] =	sst s1  }
0xa: {  	[smem:$0x3FB0] =	sst s2  }
0xb: {  	[smem:$0x3FB1] =	sst s3  }
0xc: {  	[smem:$0x3FB2] =	sst s4  }
0xd: {  	[smem:$0x3FB3] =	sst s5  }
0xe: {  	[smem:$0x3FB4] =	sst s6  }
0xf: {  	[smem:$0x3FB5] =	sst s7  }
0x10: {  	[smem:$0x3FB6] =	sst s8  }
0x11: {  	[smem:$0x3FB7] =	sst s9;
	s0 =	simm.s32 @!p0 $0x0  }
0x12: {  	s1 =	sld [smem:$0x3F9D];
	s0 =	simm.s32 @p0 $0x1  }
0x13: {  	[smem:$0x3FB8] =	sst s0;
	s0 =	simm.s32 @!p1 $0x0  }
0x14: {  	s2 =	sld [smem:$0x3F9C];
	s0 =	simm.s32 @p1 $0x1  }
0x15: {  	[smem:$0x3FB9] =	sst s0;
	s0 =	simm.s32 @!p2 $0x0  }
0x16: {  	s3 =	sld [smem:$0x3FDB];
	s0 =	simm.s32 @p2 $0x1  }
0x17: {  	s4 =	simm.s32 $0x1BF5;
	[smem:$0x3FBB] =	sst s0  }
0x18: {  	s0 =	sld [smem:$0x3F9E];
	_ =	swait.ge [sflag:s4], $0x0  }
0x19: {  	s7 =	sld [smem:$0x3F9F]  }
0x1a: {  	s8 =	sadd.s32 $0xFFFFE003, lr  }
0x1b: {  	s9 =	sadd.s32 $0xFFFFFEF7, lr;
	s5 =	simm.s32 $0xFFFFFFFF;
	p2 =	slt.u32 s8, $0xFFFFF086  }
0x1c: {  	p1 =	slt.u32 s9, $0xF7A;
	s5 =	simm.s32 @!p2 $0x0  }
0x1d: {  	s5 =	simm.s32 @p1 $0x1;
	p0 =	seq.s32 s7, s2  }
0x1e: {  	s7 =	smul.u32 @!p0 $0xF7A, s2;
	p2 =	seq.s32 @!p0 s5, $0x0  }
0x1f: {  	s9 =	smul.u32 $0xF7A, s1;
	s8 =	simm.s32 @!p0 $0x1BF5;
	p2 =	por !p2, p0  }
0x20: {  	[sflag:s8] =	ssyncset.s32 @!p0 $0xFFFFF086;
	s6 =	sadd.s32 @!p0 s3, s7;
	s7 =	simm.s32 @!p0 $0x108  }
0x21: {  	s3 =	sadd.s32 s3, s9;
	s6 =	sadd.s32 @!p0 $0x88, s6;
	s7 =	simm.s32 @p2 $0x1082  }
0x22: {  	[simem:s7], [sflag:s8] =	dma.local @!p0 [hbm:s6], $0xF7A  }
0x23: {  	s9 =	sor.u32 $0xD0000000, s2;
	s6 =	simm.s32 $0x108;
	_ =	swait.ge @!p0 [sflag:s8], $0x0  }
0x24: {  	s3 =	sadd.s32 $0x88, s3;
	s6 =	simm.s32 @!p1 $0x1082;
	[sflag:s4] =	ssyncset.s32 $0xFFFFF086  }
0x25: {  	[simem:s6], [sflag:s4] =	dma.local [hbm:s3], $0xF7A  }
0x26: {  	[smem:$0x3F9F] =	sst s1;
	(tag) =	ssettag s2;
	_ =	strace s9  }
0x27: {  	s1 =	sld [smem:$0x3FAF]  }
0x28: {  	s2 =	sld [smem:$0x3FB0]  }
0x29: {  	s4 =	sld [smem:$0x3FB2]  }
0x2a: {  	p0 =	seq.s32 s5, $0x0;
	s5 =	sld [smem:$0x3FB3]  }
0x2b: {  	s6 =	sld [smem:$0x3FB4]  }
0x2c: {  	s7 =	sld [smem:$0x3FB5]  }
0x2d: {  	s3 =	simm.s32 $0x108;
	s8 =	sld [smem:$0x3FB6]  }
0x2e: {  	s3 =	simm.s32 @!p0 $0x1082;
	s9 =	sld [smem:$0x3FB7]  }
0x2f: {  	lr =	sadd.s32 s0, s3;
	s0 =	sld [smem:$0x3FAE]  }
0x30: {  	s3 =	sld [smem:$0x3FB1]  }
0x31: {  	[smem:$0x3FBA] =	sst s10  }
0x32: {  	s10 =	sld [smem:$0x3FB8];
	_ =	sdelay $0x3  }
0x33: {  	p0 =	seq.s32 s10, $0x1;
	s10 =	sld [smem:$0x3FBA];
	_ =	sdelay $0x3  }
0x34: {  	[smem:$0x3FBA] =	sst s10  }
0x35: {  	s10 =	sld [smem:$0x3FB9];
	_ =	sdelay $0x3  }
0x36: {  	p1 =	seq.s32 s10, $0x1;
	s10 =	sld [smem:$0x3FBA];
	_ =	sdelay $0x3  }
0x37: {  	[smem:$0x3FBA] =	sst s10  }
0x38: {  	s10 =	sld [smem:$0x3FBB]  }
0x39: {  	_ = 	snop;
	(pc) =	sbr.ind lr, $3  }
0x3a: {  	_ = 	snop  }
0x3b: {  	_ = 	snop  }
0x3c: {  	p2 =	seq.s32 s10, $0x1;
	s10 =	sld [smem:$0x3FBA]  }
0x3d: {  	_ =	shalt  }
0x3e: {  	_ =	shalt  }
0x3f: {  	_ =	shalt  }
0x40: {  	_ =	shalt  }
0x41: {  	_ =	shalt  }
0x42: {  	_ =	shalt  }
0x43: {  	_ =	shalt  }
0x44: {  	_ =	shalt  }
0x45: {  	_ =	shalt  }
0x46: {  	_ =	shalt  }
0x47: {  	_ =	shalt  }
0x48: {  	_ =	shalt  }
0x49: {  	_ =	shalt  }
0x4a: {  	_ =	shalt  }
0x4b: {  	_ =	shalt  }
0x4c: {  	_ =	shalt  }
0x4d: {  	_ =	shalt  }
0x4e: {  	_ =	shalt  }
0x4f: {  	_ =	shalt  }
0x50: {  	_ =	shalt  }
0x51: {  	_ =	shalt  }
0x52: {  	_ =	shalt  }
0x53: {  	_ =	shalt  }
0x54: {  	_ =	shalt  }
0x55: {  	_ =	shalt  }
0x56: {  	_ =	shalt  }
0x57: {  	_ =	shalt  }
0x58: {  	_ =	shalt  }
0x59: {  	_ =	shalt  }
0x5a: {  	_ =	shalt  }
0x5b: {  	_ =	shalt  }
0x5c: {  	_ =	shalt  }
0x5d: {  	_ =	shalt  }
0x5e: {  	_ =	shalt  }
0x5f: {  	_ =	shalt  }
0x60: {  	_ =	shalt  }
0x61: {  	_ =	shalt  }
0x62: {  	_ =	shalt  }
0x63: {  	_ =	shalt  }
0x64: {  	_ =	shalt  }
0x65: {  	_ =	shalt  }
0x66: {  	_ =	shalt  }
0x67: {  	_ =	shalt  }
0x68: {  	_ =	shalt  }
0x69: {  	_ =	shalt  }
0x6a: {  	_ =	shalt  }
0x6b: {  	_ =	shalt  }
0x6c: {  	_ =	shalt  }
0x6d: {  	_ =	shalt  }
0x6e: {  	_ =	shalt  }
0x6f: {  	_ =	shalt  }
0x70: {  	_ =	shalt  }
0x71: {  	_ =	shalt  }
0x72: {  	_ =	shalt  }
0x73: {  	_ =	shalt  }
0x74: {  	_ =	shalt  }
0x75: {  	_ =	shalt  }
0x76: {  	_ =	shalt  }
0x77: {  	_ =	shalt  }
0x78: {  	_ =	shalt  }
0x79: {  	_ =	shalt  }
0x7a: {  	_ =	shalt  }
0x7b: {  	_ =	shalt  }
0x7c: {  	_ =	shalt  }
0x7d: {  	_ =	shalt  }
0x7e: {  	_ =	shalt  }
0x7f: {  	_ =	shalt  }
0x80: {  	_ =	shalt  }
0x81: {  	_ =	shalt  }
0x82: {  	_ =	shalt  }
0x83: {  	_ =	shalt  }
0x84: {  	_ =	shalt  }
0x85: {  	_ =	shalt  }
0x86: {  	_ =	shalt  }
0x87: {  	_ =	shalt  }
.Lfunc_end0:
.L_simem_size_0:
called_computation_lowered:
.L_overlay_start_0:
0x88: {  	s2 =	sld [smem:$0x3FD9]  }
0x89: {  	s3 =	sld [smem:$0x3FFE];
	_ =	sdelay $0x1  }
0x8a: {  	s1 =	srdreg.scid  }
0x8b: {  	s0 =	sand.u32 $0x1, s1  }
0x8c: {  	s17 =	sshll.u32 s0, $0xA;
	s2 =	sadd.s32 s3, s2  }
0x8d: {  	s2 =	sadd.s32 s2, s17  }
0x8e: {  	[smem:$0x3FC6] =	sst s2  }
0x8f: {  	_ = 	snop  }
0x90: {  	s2 =	sld [smem:$0x3FC9]  }
0x91: {  	s18 =	sld [smem:$0x3FD0];
	(tm) =	ssettm $0x1  }
0x92: {  	s4 =	sld [smem:$0x3FFB];
	_ =	sdelay $0x3  }
0x93: {  	_ =	strace s4  }
0x94: {  	s4 =	sld [smem:$0x3FFC];
	_ =	sdelay $0x3  }
0x95: {  	_ =	strace s4  }
0x96: {  	s4 =	sld [smem:$0x3FFD];
	_ =	sdelay $0x3  }
0x97: {  	_ =	strace s4  }
0x98: {  	_ =	strace $0x8FFFFFFF  }
0x99: {  	s19 =	sld [smem:$0x3FDB];
	_ =	sdelay $0x1  }
0x9a: {  	s5 =	simm.s32 $_scs_section_size  }
0x9b: {  	s6 =	simm.s32 $_size__tile_overlayer_lowered;
	s7 =	simm.s32 $_tile_overlayer_lowered  }
0x9c: {  	s22 =	simm.s32 $0x1BFF;
	s21 =	sshll.u32 s7, $0x1;
	s4 =	sadd.s32 s5, s19  }
0x9d: {  	s8 =	simm.s32 $0x0;
	s20 =	sshll.u32 s6, $0x1;
	s6 =	sadd.s32 s21, s4  }
0x9e: {  	[timem:s8], [sflag:s22] =	dma.local [hbm:s6], s20  }
0x9f: {  	_ =	swait.ge [sflag:s22], s20  }
0xa0: {  	s5 =	ssub.s32 $0x0, s20;
	[sflag:s22] =	ssyncset.done $0x0  }
0xa1: {  	[sflag:s22] =	ssyncadd.s32 s5;
	_ =	sdelay $0x1  }
0xa2: {  	s23 =	simm.s32 $0x1B8B  }
0xa3: {  	_ =	swait.ge [sflag:s23], $0x1  }
0xa4: {  	[sflag:s23] =	ssyncset.done $0x0  }
0xa5: {  	s25 =	simm.s32 $0x1B8E;
	s24 =	sld [smem:$0x3FFE];
	[sflag:s23] =	ssyncadd.s32 $0xFFFFFFFF  }
0xa6: {  	s26 =	simm.s32 $execute0_lowered;
	[smem:$0x3FD2] =	sst s25  }
0xa7: {  	s6 =	sshll.u32 s26, $0x1;
	_ =	strace $0x80000046;
	[dreg:$0x1] =	wrdreg $0xFFFFFFFF  }
0xa8: {  	s28 =	simm.s32 $_size_execute0_lowered;
	s4 =	sadd.s32 s4, s6;
	[dreg:$0x0] =	wrdreg $0x0  }
0xa9: {  	s6 =	sshll.u32 s28, $0x1;
	[dreg:$0x2] =	wrdreg s4  }
0xaa: {  	[dreg:$0x3] =	wrdreg s6  }
0xab: {  	[dreg:$0x4] =	wrdreg $0xC0  }
0xac: {  	_ =	task [dreg:s8], $0x5FFFF  }
0xad: {  	[dreg:$0x1] =	wrdreg $0xFFFFFFFF  }
0xae: {  	[dreg:$0x0] =	wrdreg $0x60  }
0xaf: {  	[dreg:$0x2] =	wrdreg s2  }
0xb0: {  	[dreg:$0x3] =	wrdreg s24  }
0xb1: {  	[dreg:$0x4] =	wrdreg s18  }
0xb2: {  	[dreg:$0x5] =	wrdreg $0x9  }
0xb3: {  	_ =	task.clear_ibuf [dreg:s8], $0x6FFFF;
	_ =	strace $0x90000046  }
0xb4: {  	s29 =	simm.s32 $0x9;
	_ =	strace $0x80000048  }
0xb5: {  	_ =	swait.ge [sflag:s29], $0x1  }
0xb6: {  	[sflag:s29] =	ssyncadd.s32 $0xFFFFFFFF  }
0xb7: {  	_ =	strace $0x90000048  }
0xb8: {  	_ =	sfence  }
0xb9: {  	s30 =	sld [smem:$0x0];
	_ =	sdelay $0x2  }
0xba: {  	s31 =	sshll.u32 s1, $0xD;
	s1 =	sshrl.u32 s1, $0x2  }
0xbb: {  	s3 =	sand.u32 $0x4000, s31;
	s1 =	sadd.s32 s1, s30  }
0xbc: {  	s0 =	sor.u32 s3, s0;
	s1 =	sshll.u32 s1, $0x11  }
0xbd: {  	s0 =	sor.u32 s1, s0  }
0xbe: {  	s0 =	sadd.s32 $0x8F2B, s0  }
0xbf: {  	[sflag:s0] =	ssyncadd.remote.s32 $0x1  }
0xc0: {  	_ =	sfence.sel $0xFFFF  }
0xc1: {  	[dreg:$0x0] =	wrdreg $0xFFFFFFFF;
	(pc) =	sbr.abs _section_cstart, $3  }
0xc2: {  	[dreg:$0x1] =	wrdreg $0xFFFFFFFF  }
0xc3: {  	_ =	task.clear_ibuf [dreg:s8], $0x2FFFF;
	_ =	strace $0x9FFFFFFF  }
0xc4: {  	(tm) =	ssettm $0x7FFFFFFF  }
0xc5: {  	_ =	shalt  }
tec
execute0_lowered:
.L_overlay_start_1:
0x0: {  	(tag) =	ssettag $0x1  }
0x1: {  	s1 =	srdreg.scid;
	s4 =	rddreg [dreg:$0x0]  }
0x2: {  	s0 =	stileid.u32;
	s3 =	rddreg [dreg:$0x1];
	s2 =	sand.u32 $0x1, s1  }
0x3: {  	s6 =	rddreg [dreg:$0x2];
	s31 =	sshll.u32 s0, $0xA;
	s5 =	sshll.u32 s2, $0x9  }
0x4: {  	s1 =	rddreg [dreg:$0x3];
	s3 =	sadd.s32 $0x400, s3;
	s5 =	sor.u32 s5, s31  }
0x5: {  	s7 =	ssub.s32 $0x2, s2;
	s2 =	simm.s32 $0x0;
	s5 =	sshrl.u32 s5, $0x3  }
0x6: {  	s8 =	sshrl.u32 s7, $0x1;
	[smem:$0x7FF] =	sst s2;
	s9 =	smul.u32 $0x300, s5  }
0x7: {  	s7 =	ssub.s32 s7, s8;
	_ =	strace $0x80000047;
	s8 =	simm.s32 $0x0  }
0x8: {  	s4 =	sadd.s32 s4, s5;
	s5 =	smax.u32 s7, $0x1;
	s6 =	sadd.s32 s9, s6  }
0x9: {  	s7 =	simm.s32 $0x1;
	[dreg:$0x4] =	wrdreg s6;
	s6 =	simm.s32 $0x2  }
.LBB2_1:
0xa: {  	[tilespmem:s2], [sflag:$0x2] =	stream.linear.gather [hbm4b:s3+s2], $0x6000, $0x38;
	[tilespmem:$0x6200] =	vst v63  }
0xb: {  	_ =	swait.ge [sflag:s6], $0x6000  }
0xc: {  	[sflag:s6] =	ssyncset.done $0x0  }
0xd: {  	s9 =	simm.s32 $0x6000;
	[sflag:s6] =	ssyncadd.s32 $0xFFFFA000  }
0xe: {  	[tilespmem:s9], [sflag:$0x2] =	stream.linear.gather [hbm4b:s4+s2], $0x200, $0x38;
	[tilespmem:$0x6200] =	vst v63  }
0xf: {  	_ =	swait.ge [sflag:s6], $0x200  }
0x10: {  	[sflag:s6] =	ssyncset.done $0x0  }
0x11: {  	[sflag:s6] =	ssyncadd.s32 $0xFFFFFE00  }
0x12: {  	v0 =	vld [tilespmem:s9+$0x0];
	_ =	sdelay $0x4  }
0x13: {  	(v2sf) =	vpush v0, $0x0;
	_ =	sdelay $0x4  }
0x14: {  	(v2sf) =	vpush v0, $0x1;
	_ =	sdelay $0x9  }
0x15: {  	s20 =	spop (v2sf)  }
0x16: {  	s10 =	sshrl.u32 s20, $0x3  }
0x17: {  	s10 =	smul.u32 $0x6000, s10  }
0x18: {  	s9 =	sshll.u32 s20, $0x7  }
0x19: {  	s11 =	rddreg [dreg:$0x4];
	s12 =	sand.u32 $0x380, s9;
	s10 =	sshra.s32 s10, $0x2  }
0x1a: {  	s13 =	spop (v2sf);
	s9 =	sadd.s32 $0x0, s11;
	s10 =	sor.u32 s12, s10  }
0x1b: {  	(v2sf) =	vpush v0, $0x2;
	[hbm4b:s9+s2] =	stream.linear.scatter [tilespmem:s10], [sflag:$0x1], $0x80, $0x38;
	[tilespmem:$0x6200] =	vst v63  }
0x1c: {  	s21 =	sshrl.u32 s13, $0x3;
	s14 =	sadd.s32 $0x80, s9;
	s12 =	sor.u32 $0x400, s10  }
0x1d: {  	[hbm4b:s14+s2] =	stream.linear.scatter [tilespmem:s12], [sflag:$0x1], $0x80, $0x38;
	[tilespmem:$0x6200] =	vst v63  }
0x1e: {  	s22 =	sshll.u32 s13, $0x7;
	s24 =	sadd.s32 $0x100, s9;
	s23 =	sadd.s32 $0x800, s10  }
0x1f: {  	[hbm4b:s24+s2] =	stream.linear.scatter [tilespmem:s23], [sflag:$0x1], $0x80, $0x38;
	[tilespmem:$0x6200] =	vst v63  }
0x20: {  	s11 =	smul.u32 $0x6000, s21;
	s26 =	sadd.s32 $0x180, s9;
	s25 =	sadd.s32 $0xC00, s10  }
0x21: {  	[hbm4b:s26+s2] =	stream.linear.scatter [tilespmem:s25], [sflag:$0x1], $0x80, $0x38;
	[tilespmem:$0x6200] =	vst v63  }
0x22: {  	s29 =	sadd.s32 $0x200, s9;
	s30 =	sadd.s32 $0x280, s9;
	s28 =	sadd.s32 $0x1000, s10  }
0x23: {  	(v2sf) =	vpush v0, $0x3;
	[hbm4b:s29+s2] =	stream.linear.scatter [tilespmem:s28], [sflag:$0x1], $0x80, $0x38;
	[tilespmem:$0x6200] =	vst v63  }
0x24: {  	s11 =	sshra.s32 s11, $0x2;
	s10 =	sadd.s32 $0x1400, s10;
	s12 =	sand.u32 $0x380, s22  }
0x25: {  	[hbm4b:s30+s2] =	stream.linear.scatter [tilespmem:s10], [sflag:$0x1], $0x80, $0x38;
	[tilespmem:$0x6200] =	vst v63  }
0x26: {  	s15 =	sadd.s32 $0x10, s9;
	s18 =	sadd.s32 $0x90, s9;
	s11 =	sor.u32 s12, s11  }
0x27: {  	[hbm4b:s15+s2] =	stream.linear.scatter [tilespmem:s11], [sflag:$0x1], $0x80, $0x38;
	[tilespmem:$0x6200] =	vst v63  }
0x28: {  	s20 =	sadd.s32 $0x110, s9;
	s22 =	sadd.s32 $0x190, s9;
	s17 =	sor.u32 $0x400, s11  }
0x29: {  	[hbm4b:s18+s2] =	stream.linear.scatter [tilespmem:s17], [sflag:$0x1], $0x80, $0x38;
	[tilespmem:$0x6200] =	vst v63  }
0x2a: {  	s19 =	sadd.s32 $0x800, s11;
	s21 =	sadd.s32 $0xC00, s11;
	s31 =	spop (v2sf)  }
0x2b: {  	[hbm4b:s20+s2] =	stream.linear.scatter [tilespmem:s19], [sflag:$0x1], $0x80, $0x38;
	[tilespmem:$0x6200] =	vst v63  }
0x2c: {  	s23 =	sadd.s32 $0x1000, s11;
	s24 =	sadd.s32 $0x210, s9;
	s16 =	sshrl.u32 s31, $0x3  }
0x2d: {  	[hbm4b:s22+s2] =	stream.linear.scatter [tilespmem:s21], [sflag:$0x1], $0x80, $0x38;
	[tilespmem:$0x6200] =	vst v63  }
0x2e: {  	s25 =	sadd.s32 $0x290, s9;
	s10 =	sshll.u32 s31, $0x7;
	s12 =	smul.u32 $0x6000, s16  }
0x2f: {  	(v2sf) =	vpush v0, $0x4;
	[hbm4b:s24+s2] =	stream.linear.scatter [tilespmem:s23], [sflag:$0x1], $0x80, $0x38;
	[tilespmem:$0x6200] =	vst v63  }
0x30: {  	s10 =	sand.u32 $0x380, s10;
	s11 =	sadd.s32 $0x1400, s11;
	s12 =	sshra.s32 s12, $0x2  }
0x31: {  	[hbm4b:s25+s2] =	stream.linear.scatter [tilespmem:s11], [sflag:$0x1], $0x80, $0x38;
	[tilespmem:$0x6200] =	vst v63  }
0x32: {  	s28 =	sadd.s32 $0x20, s9;
	s26 =	spop (v2sf);
	s10 =	sor.u32 s10, s12  }
0x33: {  	[hbm4b:s28+s2] =	stream.linear.scatter [tilespmem:s10], [sflag:$0x1], $0x80, $0x38;
	[tilespmem:$0x6200] =	vst v63  }
0x34: {  	s31 =	sadd.s32 $0xA0, s9;
	s29 =	sshrl.u32 s26, $0x3;
	s30 =	sor.u32 $0x400, s10  }
0x35: {  	[hbm4b:s31+s2] =	stream.linear.scatter [tilespmem:s30], [sflag:$0x1], $0x80, $0x38;
	[tilespmem:$0x6200] =	vst v63  }
0x36: {  	s16 =	sadd.s32 $0x120, s9;
	s12 =	smul.u32 $0x6000, s29;
	s15 =	sadd.s32 $0x800, s10  }
0x37: {  	[hbm4b:s16+s2] =	stream.linear.scatter [tilespmem:s15], [sflag:$0x1], $0x80, $0x38;
	[tilespmem:$0x6200] =	vst v63  }
0x38: {  	s18 =	sadd.s32 $0x1A0, s9;
	s17 =	sadd.s32 $0xC00, s10;
	s12 =	sshra.s32 s12, $0x2  }
0x39: {  	[hbm4b:s18+s2] =	stream.linear.scatter [tilespmem:s17], [sflag:$0x1], $0x80, $0x38;
	[tilespmem:$0x6200] =	vst v63  }
0x3a: {  	s19 =	sadd.s32 $0x1000, s10;
	s20 =	sadd.s32 $0x220, s9;
	s11 =	sshll.u32 s26, $0x7  }
0x3b: {  	(v2sf) =	vpush v0, $0x5;
	[hbm4b:s20+s2] =	stream.linear.scatter [tilespmem:s19], [sflag:$0x1], $0x80, $0x38;
	[tilespmem:$0x6200] =	vst v63  }
0x3c: {  	s21 =	sadd.s32 $0x2A0, s9;
	s11 =	sand.u32 $0x380, s11;
	s10 =	sadd.s32 $0x1400, s10  }
0x3d: {  	[hbm4b:s21+s2] =	stream.linear.scatter [tilespmem:s10], [sflag:$0x1], $0x80, $0x38;
	[tilespmem:$0x6200] =	vst v63  }
0x3e: {  	s23 =	sadd.s32 $0x30, s9;
	s22 =	spop (v2sf);
	s11 =	sor.u32 s11, s12  }
0x3f: {  	[hbm4b:s23+s2] =	stream.linear.scatter [tilespmem:s11], [sflag:$0x1], $0x80, $0x38;
	[tilespmem:$0x6200] =	vst v63  }
0x40: {  	s26 =	sadd.s32 $0xB0, s9;
	s24 =	sshrl.u32 s22, $0x3;
	s25 =	sor.u32 $0x400, s11  }
0x41: {  	[hbm4b:s26+s2] =	stream.linear.scatter [tilespmem:s25], [sflag:$0x1], $0x80, $0x38;
	[tilespmem:$0x6200] =	vst v63  }
0x42: {  	s29 =	sadd.s32 $0x130, s9;
	s28 =	sadd.s32 $0x800, s11;
	s12 =	smul.u32 $0x6000, s24  }
0x43: {  	[hbm4b:s29+s2] =	stream.linear.scatter [tilespmem:s28], [sflag:$0x1], $0x80, $0x38;
	[tilespmem:$0x6200] =	vst v63  }
0x44: {  	s30 =	sadd.s32 $0xC00, s11;
	s31 =	sadd.s32 $0x1B0, s9;
	s12 =	sshra.s32 s12, $0x2  }
0x45: {  	[hbm4b:s31+s2] =	stream.linear.scatter [tilespmem:s30], [sflag:$0x1], $0x80, $0x38;
	[tilespmem:$0x6200] =	vst v63  }
0x46: {  	s15 =	sadd.s32 $0x1000, s11;
	s16 =	sadd.s32 $0x230, s9;
	s10 =	sshll.u32 s22, $0x7  }
0x47: {  	(v2sf) =	vpush v0, $0x6;
	[hbm4b:s16+s2] =	stream.linear.scatter [tilespmem:s15], [sflag:$0x1], $0x80, $0x38;
	[tilespmem:$0x6200] =	vst v63  }
0x48: {  	s17 =	sadd.s32 $0x2B0, s9;
	s10 =	sand.u32 $0x380, s10;
	s11 =	sadd.s32 $0x1400, s11  }
0x49: {  	[hbm4b:s17+s2] =	stream.linear.scatter [tilespmem:s11], [sflag:$0x1], $0x80, $0x38;
	[tilespmem:$0x6200] =	vst v63  }
0x4a: {  	s18 =	spop (v2sf);
	s19 =	sadd.s32 $0x40, s9;
	s10 =	sor.u32 s10, s12  }
0x4b: {  	[hbm4b:s19+s2] =	stream.linear.scatter [tilespmem:s10], [sflag:$0x1], $0x80, $0x38;
	[tilespmem:$0x6200] =	vst v63  }
0x4c: {  	s20 =	sshrl.u32 s18, $0x3;
	s22 =	sadd.s32 $0xC0, s9;
	s21 =	sor.u32 $0x400, s10  }
0x4d: {  	[hbm4b:s22+s2] =	stream.linear.scatter [tilespmem:s21], [sflag:$0x1], $0x80, $0x38;
	[tilespmem:$0x6200] =	vst v63  }
0x4e: {  	s24 =	sadd.s32 $0x140, s9;
	s12 =	smul.u32 $0x6000, s20;
	s23 =	sadd.s32 $0x800, s10  }
0x4f: {  	[hbm4b:s24+s2] =	stream.linear.scatter [tilespmem:s23], [sflag:$0x1], $0x80, $0x38;
	[tilespmem:$0x6200] =	vst v63  }
0x50: {  	s12 =	sshra.s32 s12, $0x2;
	s25 =	sadd.s32 $0xC00, s10;
	s26 =	sadd.s32 $0x1C0, s9  }
0x51: {  	[hbm4b:s26+s2] =	stream.linear.scatter [tilespmem:s25], [sflag:$0x1], $0x80, $0x38;
	[tilespmem:$0x6200] =	vst v63  }
0x52: {  	s28 =	sadd.s32 $0x1000, s10;
	s29 =	sadd.s32 $0x240, s9;
	s11 =	sshll.u32 s18, $0x7  }
0x53: {  	(v2sf) =	vpush v0, $0x7;
	[hbm4b:s29+s2] =	stream.linear.scatter [tilespmem:s28], [sflag:$0x1], $0x80, $0x38;
	[tilespmem:$0x6200] =	vst v63  }
0x54: {  	s30 =	sadd.s32 $0x2C0, s9;
	s11 =	sand.u32 $0x380, s11;
	s10 =	sadd.s32 $0x1400, s10  }
0x55: {  	[hbm4b:s30+s2] =	stream.linear.scatter [tilespmem:s10], [sflag:$0x1], $0x80, $0x38;
	[tilespmem:$0x6200] =	vst v63  }
0x56: {  	s31 =	spop (v2sf);
	s15 =	sadd.s32 $0x50, s9;
	s11 =	sor.u32 s11, s12  }
0x57: {  	[hbm4b:s15+s2] =	stream.linear.scatter [tilespmem:s11], [sflag:$0x1], $0x80, $0x38;
	[tilespmem:$0x6200] =	vst v63  }
0x58: {  	s16 =	sshrl.u32 s31, $0x3;
	s18 =	sadd.s32 $0xD0, s9;
	s17 =	sor.u32 $0x400, s11  }
0x59: {  	[hbm4b:s18+s2] =	stream.linear.scatter [tilespmem:s17], [sflag:$0x1], $0x80, $0x38;
	[tilespmem:$0x6200] =	vst v63  }
0x5a: {  	s20 =	sadd.s32 $0x150, s9;
	s12 =	smul.u32 $0x6000, s16;
	s19 =	sadd.s32 $0x800, s11  }
0x5b: {  	[hbm4b:s20+s2] =	stream.linear.scatter [tilespmem:s19], [sflag:$0x1], $0x80, $0x38;
	[tilespmem:$0x6200] =	vst v63  }
0x5c: {  	s12 =	sshra.s32 s12, $0x2;
	s21 =	sadd.s32 $0xC00, s11;
	s22 =	sadd.s32 $0x1D0, s9  }
0x5d: {  	[hbm4b:s22+s2] =	stream.linear.scatter [tilespmem:s21], [sflag:$0x1], $0x80, $0x38;
	[tilespmem:$0x6200] =	vst v63  }
0x5e: {  	s23 =	sadd.s32 $0x1000, s11;
	s24 =	sadd.s32 $0x250, s9;
	s10 =	sshll.u32 s31, $0x7  }
0x5f: {  	(v2sf) =	vpush v0, $0x8;
	[hbm4b:s24+s2] =	stream.linear.scatter [tilespmem:s23], [sflag:$0x1], $0x80, $0x38;
	[tilespmem:$0x6200] =	vst v63  }
0x60: {  	s25 =	sadd.s32 $0x2D0, s9;
	s10 =	sand.u32 $0x380, s10;
	s11 =	sadd.s32 $0x1400, s11  }
0x61: {  	[hbm4b:s25+s2] =	stream.linear.scatter [tilespmem:s11], [sflag:$0x1], $0x80, $0x38;
	[tilespmem:$0x6200] =	vst v63  }
0x62: {  	s26 =	spop (v2sf);
	s28 =	sadd.s32 $0x60, s9;
	s10 =	sor.u32 s10, s12  }
0x63: {  	[hbm4b:s28+s2] =	stream.linear.scatter [tilespmem:s10], [sflag:$0x1], $0x80, $0x38;
	[tilespmem:$0x6200] =	vst v63  }
0x64: {  	s29 =	sshrl.u32 s26, $0x3;
	s31 =	sadd.s32 $0xE0, s9;
	s30 =	sor.u32 $0x400, s10  }
0x65: {  	[hbm4b:s31+s2] =	stream.linear.scatter [tilespmem:s30], [sflag:$0x1], $0x80, $0x38;
	[tilespmem:$0x6200] =	vst v63  }
0x66: {  	s16 =	sadd.s32 $0x160, s9;
	s12 =	smul.u32 $0x6000, s29;
	s15 =	sadd.s32 $0x800, s10  }
0x67: {  	[hbm4b:s16+s2] =	stream.linear.scatter [tilespmem:s15], [sflag:$0x1], $0x80, $0x38;
	[tilespmem:$0x6200] =	vst v63  }
0x68: {  	s12 =	sshra.s32 s12, $0x2;
	s17 =	sadd.s32 $0xC00, s10;
	s18 =	sadd.s32 $0x1E0, s9  }
0x69: {  	[hbm4b:s18+s2] =	stream.linear.scatter [tilespmem:s17], [sflag:$0x1], $0x80, $0x38;
	[tilespmem:$0x6200] =	vst v63  }
0x6a: {  	s19 =	sadd.s32 $0x1000, s10;
	s20 =	sadd.s32 $0x260, s9;
	s11 =	sshll.u32 s26, $0x7  }
0x6b: {  	(v2sf) =	vpush v0, $0x9;
	[hbm4b:s20+s2] =	stream.linear.scatter [tilespmem:s19], [sflag:$0x1], $0x80, $0x38;
	[tilespmem:$0x6200] =	vst v63  }
0x6c: {  	s21 =	sadd.s32 $0x2E0, s9;
	s11 =	sand.u32 $0x380, s11;
	s10 =	sadd.s32 $0x1400, s10  }
0x6d: {  	[hbm4b:s21+s2] =	stream.linear.scatter [tilespmem:s10], [sflag:$0x1], $0x80, $0x38;
	[tilespmem:$0x6200] =	vst v63  }
0x6e: {  	s22 =	spop (v2sf);
	s23 =	sadd.s32 $0x70, s9;
	s11 =	sor.u32 s11, s12  }
0x6f: {  	[hbm4b:s23+s2] =	stream.linear.scatter [tilespmem:s11], [sflag:$0x1], $0x80, $0x38;
	[tilespmem:$0x6200] =	vst v63  }
0x70: {  	s24 =	sshrl.u32 s22, $0x3;
	s26 =	sadd.s32 $0xF0, s9;
	s25 =	sor.u32 $0x400, s11  }
0x71: {  	[hbm4b:s26+s2] =	stream.linear.scatter [tilespmem:s25], [sflag:$0x1], $0x80, $0x38;
	[tilespmem:$0x6200] =	vst v63  }
0x72: {  	s29 =	sadd.s32 $0x170, s9;
	s12 =	smul.u32 $0x6000, s24;
	s28 =	sadd.s32 $0x800, s11  }
0x73: {  	[hbm4b:s29+s2] =	stream.linear.scatter [tilespmem:s28], [sflag:$0x1], $0x80, $0x38;
	[tilespmem:$0x6200] =	vst v63  }
0x74: {  	s12 =	sshra.s32 s12, $0x2;
	s30 =	sadd.s32 $0xC00, s11;
	s31 =	sadd.s32 $0x1F0, s9  }
0x75: {  	[hbm4b:s31+s2] =	stream.linear.scatter [tilespmem:s30], [sflag:$0x1], $0x80, $0x38;
	[tilespmem:$0x6200] =	vst v63  }
0x76: {  	s15 =	sadd.s32 $0x1000, s11;
	s16 =	sadd.s32 $0x270, s9;
	s10 =	sshll.u32 s22, $0x7  }
0x77: {  	(v2sf) =	vpush v0, $0xA;
	[hbm4b:s16+s2] =	stream.linear.scatter [tilespmem:s15], [sflag:$0x1], $0x80, $0x38;
	[tilespmem:$0x6200] =	vst v63  }
0x78: {  	s17 =	sadd.s32 $0x2F0, s9;
	s10 =	sand.u32 $0x380, s10;
	s11 =	sadd.s32 $0x1400, s11  }
0x79: {  	[hbm4b:s17+s2] =	stream.linear.scatter [tilespmem:s11], [sflag:$0x1], $0x80, $0x38;
	[tilespmem:$0x6200] =	vst v63  }
0x7a: {  	s18 =	spop (v2sf);
	s19 =	sadd.s32 $0x300, s9;
	s10 =	sor.u32 s10, s12  }
0x7b: {  	[hbm4b:s19+s2] =	stream.linear.scatter [tilespmem:s10], [sflag:$0x1], $0x80, $0x38;
	[tilespmem:$0x6200] =	vst v63  }
0x7c: {  	s20 =	sshrl.u32 s18, $0x3;
	s22 =	sadd.s32 $0x380, s9;
	s21 =	sor.u32 $0x400, s10  }
0x7d: {  	[hbm4b:s22+s2] =	stream.linear.scatter [tilespmem:s21], [sflag:$0x1], $0x80, $0x38;
	[tilespmem:$0x6200] =	vst v63  }
0x7e: {  	s24 =	sadd.s32 $0x400, s9;
	s12 =	smul.u32 $0x6000, s20;
	s23 =	sadd.s32 $0x800, s10  }
0x7f: {  	[hbm4b:s24+s2] =	stream.linear.scatter [tilespmem:s23], [sflag:$0x1], $0x80, $0x38;
	[tilespmem:$0x6200] =	vst v63  }
0x80: {  	s12 =	sshra.s32 s12, $0x2;
	s25 =	sadd.s32 $0xC00, s10;
	s26 =	sadd.s32 $0x480, s9  }
0x81: {  	[hbm4b:s26+s2] =	stream.linear.scatter [tilespmem:s25], [sflag:$0x1], $0x80, $0x38;
	[tilespmem:$0x6200] =	vst v63  }
0x82: {  	s28 =	sadd.s32 $0x1000, s10;
	s29 =	sadd.s32 $0x500, s9;
	s11 =	sshll.u32 s18, $0x7  }
0x83: {  	(v2sf) =	vpush v0, $0xB;
	[hbm4b:s29+s2] =	stream.linear.scatter [tilespmem:s28], [sflag:$0x1], $0x80, $0x38;
	[tilespmem:$0x6200] =	vst v63  }
0x84: {  	s30 =	sadd.s32 $0x580, s9;
	s11 =	sand.u32 $0x380, s11;
	s10 =	sadd.s32 $0x1400, s10  }
0x85: {  	[hbm4b:s30+s2] =	stream.linear.scatter [tilespmem:s10], [sflag:$0x1], $0x80, $0x38;
	[tilespmem:$0x6200] =	vst v63  }
0x86: {  	s31 =	spop (v2sf);
	s15 =	sadd.s32 $0x310, s9;
	s11 =	sor.u32 s11, s12  }
0x87: {  	[hbm4b:s15+s2] =	stream.linear.scatter [tilespmem:s11], [sflag:$0x1], $0x80, $0x38;
	[tilespmem:$0x6200] =	vst v63  }
0x88: {  	s16 =	sshrl.u32 s31, $0x3;
	s18 =	sadd.s32 $0x390, s9;
	s17 =	sor.u32 $0x400, s11  }
0x89: {  	[hbm4b:s18+s2] =	stream.linear.scatter [tilespmem:s17], [sflag:$0x1], $0x80, $0x38;
	[tilespmem:$0x6200] =	vst v63  }
0x8a: {  	s20 =	sadd.s32 $0x410, s9;
	s12 =	smul.u32 $0x6000, s16;
	s19 =	sadd.s32 $0x800, s11  }
0x8b: {  	[hbm4b:s20+s2] =	stream.linear.scatter [tilespmem:s19], [sflag:$0x1], $0x80, $0x38;
	[tilespmem:$0x6200] =	vst v63  }
0x8c: {  	s12 =	sshra.s32 s12, $0x2;
	s21 =	sadd.s32 $0xC00, s11;
	s22 =	sadd.s32 $0x490, s9  }
0x8d: {  	[hbm4b:s22+s2] =	stream.linear.scatter [tilespmem:s21], [sflag:$0x1], $0x80, $0x38;
	[tilespmem:$0x6200] =	vst v63  }
0x8e: {  	s23 =	sadd.s32 $0x1000, s11;
	s24 =	sadd.s32 $0x510, s9;
	s10 =	sshll.u32 s31, $0x7  }
0x8f: {  	(v2sf) =	vpush v0, $0xC;
	[hbm4b:s24+s2] =	stream.linear.scatter [tilespmem:s23], [sflag:$0x1], $0x80, $0x38;
	[tilespmem:$0x6200] =	vst v63  }
0x90: {  	s25 =	sadd.s32 $0x590, s9;
	s10 =	sand.u32 $0x380, s10;
	s11 =	sadd.s32 $0x1400, s11  }
0x91: {  	[hbm4b:s25+s2] =	stream.linear.scatter [tilespmem:s11], [sflag:$0x1], $0x80, $0x38;
	[tilespmem:$0x6200] =	vst v63  }
0x92: {  	s26 =	spop (v2sf);
	s28 =	sadd.s32 $0x320, s9;
	s10 =	sor.u32 s10, s12  }
0x93: {  	[hbm4b:s28+s2] =	stream.linear.scatter [tilespmem:s10], [sflag:$0x1], $0x80, $0x38;
	[tilespmem:$0x6200] =	vst v63  }
0x94: {  	s29 =	sshrl.u32 s26, $0x3;
	s31 =	sadd.s32 $0x3A0, s9;
	s30 =	sor.u32 $0x400, s10  }
0x95: {  	[hbm4b:s31+s2] =	stream.linear.scatter [tilespmem:s30], [sflag:$0x1], $0x80, $0x38;
	[tilespmem:$0x6200] =	vst v63  }
0x96: {  	s16 =	sadd.s32 $0x420, s9;
	s12 =	smul.u32 $0x6000, s29;
	s15 =	sadd.s32 $0x800, s10  }
0x97: {  	[hbm4b:s16+s2] =	stream.linear.scatter [tilespmem:s15], [sflag:$0x1], $0x80, $0x38;
	[tilespmem:$0x6200] =	vst v63  }
0x98: {  	s12 =	sshra.s32 s12, $0x2;
	s17 =	sadd.s32 $0xC00, s10;
	s18 =	sadd.s32 $0x4A0, s9  }
0x99: {  	[hbm4b:s18+s2] =	stream.linear.scatter [tilespmem:s17], [sflag:$0x1], $0x80, $0x38;
	[tilespmem:$0x6200] =	vst v63  }
0x9a: {  	s19 =	sadd.s32 $0x1000, s10;
	s20 =	sadd.s32 $0x520, s9;
	s11 =	sshll.u32 s26, $0x7  }
0x9b: {  	(v2sf) =	vpush v0, $0xD;
	[hbm4b:s20+s2] =	stream.linear.scatter [tilespmem:s19], [sflag:$0x1], $0x80, $0x38;
	[tilespmem:$0x6200] =	vst v63  }
0x9c: {  	s21 =	sadd.s32 $0x5A0, s9;
	s11 =	sand.u32 $0x380, s11;
	s10 =	sadd.s32 $0x1400, s10  }
0x9d: {  	[hbm4b:s21+s2] =	stream.linear.scatter [tilespmem:s10], [sflag:$0x1], $0x80, $0x38;
	[tilespmem:$0x6200] =	vst v63  }
0x9e: {  	s22 =	spop (v2sf);
	s23 =	sadd.s32 $0x330, s9;
	s11 =	sor.u32 s11, s12  }
0x9f: {  	[hbm4b:s23+s2] =	stream.linear.scatter [tilespmem:s11], [sflag:$0x1], $0x80, $0x38;
	[tilespmem:$0x6200] =	vst v63  }
0xa0: {  	s24 =	sshrl.u32 s22, $0x3;
	s26 =	sadd.s32 $0x3B0, s9;
	s25 =	sor.u32 $0x400, s11  }
0xa1: {  	[hbm4b:s26+s2] =	stream.linear.scatter [tilespmem:s25], [sflag:$0x1], $0x80, $0x38;
	[tilespmem:$0x6200] =	vst v63  }
0xa2: {  	s29 =	sadd.s32 $0x430, s9;
	s12 =	smul.u32 $0x6000, s24;
	s28 =	sadd.s32 $0x800, s11  }
0xa3: {  	[hbm4b:s29+s2] =	stream.linear.scatter [tilespmem:s28], [sflag:$0x1], $0x80, $0x38;
	[tilespmem:$0x6200] =	vst v63  }
0xa4: {  	s12 =	sshra.s32 s12, $0x2;
	s30 =	sadd.s32 $0xC00, s11;
	s31 =	sadd.s32 $0x4B0, s9  }
0xa5: {  	[hbm4b:s31+s2] =	stream.linear.scatter [tilespmem:s30], [sflag:$0x1], $0x80, $0x38;
	[tilespmem:$0x6200] =	vst v63  }
0xa6: {  	s15 =	sadd.s32 $0x1000, s11;
	s16 =	sadd.s32 $0x530, s9;
	s10 =	sshll.u32 s22, $0x7  }
0xa7: {  	(v2sf) =	vpush v0, $0xE;
	[hbm4b:s16+s2] =	stream.linear.scatter [tilespmem:s15], [sflag:$0x1], $0x80, $0x38;
	[tilespmem:$0x6200] =	vst v63  }
0xa8: {  	s17 =	sadd.s32 $0x5B0, s9;
	s10 =	sand.u32 $0x380, s10;
	s11 =	sadd.s32 $0x1400, s11  }
0xa9: {  	[hbm4b:s17+s2] =	stream.linear.scatter [tilespmem:s11], [sflag:$0x1], $0x80, $0x38;
	[tilespmem:$0x6200] =	vst v63  }
0xaa: {  	s18 =	spop (v2sf);
	s19 =	sadd.s32 $0x340, s9;
	s10 =	sor.u32 s10, s12  }
0xab: {  	[hbm4b:s19+s2] =	stream.linear.scatter [tilespmem:s10], [sflag:$0x1], $0x80, $0x38;
	[tilespmem:$0x6200] =	vst v63  }
0xac: {  	s20 =	sshrl.u32 s18, $0x3;
	s22 =	sadd.s32 $0x3C0, s9;
	s21 =	sor.u32 $0x400, s10  }
0xad: {  	[hbm4b:s22+s2] =	stream.linear.scatter [tilespmem:s21], [sflag:$0x1], $0x80, $0x38;
	[tilespmem:$0x6200] =	vst v63  }
0xae: {  	s24 =	sadd.s32 $0x440, s9;
	s12 =	smul.u32 $0x6000, s20;
	s23 =	sadd.s32 $0x800, s10  }
0xaf: {  	[hbm4b:s24+s2] =	stream.linear.scatter [tilespmem:s23], [sflag:$0x1], $0x80, $0x38;
	[tilespmem:$0x6200] =	vst v63  }
0xb0: {  	s12 =	sshra.s32 s12, $0x2;
	s25 =	sadd.s32 $0xC00, s10;
	s26 =	sadd.s32 $0x4C0, s9  }
0xb1: {  	[hbm4b:s26+s2] =	stream.linear.scatter [tilespmem:s25], [sflag:$0x1], $0x80, $0x38;
	[tilespmem:$0x6200] =	vst v63  }
0xb2: {  	s28 =	sadd.s32 $0x1000, s10;
	s29 =	sadd.s32 $0x540, s9;
	s11 =	sshll.u32 s18, $0x7  }
0xb3: {  	(v2sf) =	vpush v0, $0xF;
	[hbm4b:s29+s2] =	stream.linear.scatter [tilespmem:s28], [sflag:$0x1], $0x80, $0x38;
	[tilespmem:$0x6200] =	vst v63  }
0xb4: {  	s30 =	sadd.s32 $0x5C0, s9;
	s11 =	sand.u32 $0x380, s11;
	s10 =	sadd.s32 $0x1400, s10  }
0xb5: {  	[hbm4b:s30+s2] =	stream.linear.scatter [tilespmem:s10], [sflag:$0x1], $0x80, $0x38;
	[tilespmem:$0x6200] =	vst v63  }
0xb6: {  	s31 =	spop (v2sf);
	s15 =	sadd.s32 $0x350, s9;
	s11 =	sor.u32 s11, s12  }
0xb7: {  	[hbm4b:s15+s2] =	stream.linear.scatter [tilespmem:s11], [sflag:$0x1], $0x80, $0x38;
	[tilespmem:$0x6200] =	vst v63  }
0xb8: {  	s16 =	sshrl.u32 s31, $0x3;
	s18 =	sadd.s32 $0x3D0, s9;
	s17 =	sor.u32 $0x400, s11  }
0xb9: {  	[hbm4b:s18+s2] =	stream.linear.scatter [tilespmem:s17], [sflag:$0x1], $0x80, $0x38;
	[tilespmem:$0x6200] =	vst v63  }
0xba: {  	s20 =	sadd.s32 $0x450, s9;
	s12 =	smul.u32 $0x6000, s16;
	s19 =	sadd.s32 $0x800, s11  }
0xbb: {  	[hbm4b:s20+s2] =	stream.linear.scatter [tilespmem:s19], [sflag:$0x1], $0x80, $0x38;
	[tilespmem:$0x6200] =	vst v63  }
0xbc: {  	s12 =	sshra.s32 s12, $0x2;
	s21 =	sadd.s32 $0xC00, s11;
	s22 =	sadd.s32 $0x4D0, s9  }
0xbd: {  	[hbm4b:s22+s2] =	stream.linear.scatter [tilespmem:s21], [sflag:$0x1], $0x80, $0x38;
	[tilespmem:$0x6200] =	vst v63  }
0xbe: {  	s23 =	sadd.s32 $0x1000, s11;
	s24 =	sadd.s32 $0x550, s9;
	s10 =	sshll.u32 s31, $0x7  }
0xbf: {  	[hbm4b:s24+s2] =	stream.linear.scatter [tilespmem:s23], [sflag:$0x1], $0x80, $0x38;
	[tilespmem:$0x6200] =	vst v63  }
0xc0: {  	s25 =	sadd.s32 $0x5D0, s9;
	s10 =	sand.u32 $0x380, s10;
	s11 =	sadd.s32 $0x1400, s11  }
0xc1: {  	[hbm4b:s25+s2] =	stream.linear.scatter [tilespmem:s11], [sflag:$0x1], $0x80, $0x38;
	[tilespmem:$0x6200] =	vst v63  }
0xc2: {  	s26 =	spop (v2sf);
	s28 =	sadd.s32 $0x360, s9;
	s10 =	sor.u32 s10, s12  }
0xc3: {  	[hbm4b:s28+s2] =	stream.linear.scatter [tilespmem:s10], [sflag:$0x1], $0x80, $0x38;
	[tilespmem:$0x6200] =	vst v63  }
0xc4: {  	s29 =	sshrl.u32 s26, $0x3;
	s31 =	sadd.s32 $0x3E0, s9;
	s30 =	sor.u32 $0x400, s10  }
0xc5: {  	[hbm4b:s31+s2] =	stream.linear.scatter [tilespmem:s30], [sflag:$0x1], $0x80, $0x38;
	[tilespmem:$0x6200] =	vst v63  }
0xc6: {  	s12 =	smul.u32 $0x6000, s29;
	s15 =	sadd.s32 $0x460, s9;
	s14 =	sadd.s32 $0x800, s10  }
0xc7: {  	[hbm4b:s15+s2] =	stream.linear.scatter [tilespmem:s14], [sflag:$0x1], $0x80, $0x38;
	[tilespmem:$0x6200] =	vst v63  }
0xc8: {  	s16 =	sadd.s32 $0xC00, s10;
	s12 =	sshra.s32 s12, $0x2;
	s17 =	sadd.s32 $0x4E0, s9  }
0xc9: {  	[hbm4b:s17+s2] =	stream.linear.scatter [tilespmem:s16], [sflag:$0x1], $0x80, $0x38;
	[tilespmem:$0x6200] =	vst v63  }
0xca: {  	s18 =	sadd.s32 $0x1000, s10;
	s19 =	sadd.s32 $0x560, s9;
	s11 =	sshll.u32 s26, $0x7  }
0xcb: {  	[hbm4b:s19+s2] =	stream.linear.scatter [tilespmem:s18], [sflag:$0x1], $0x80, $0x38;
	[tilespmem:$0x6200] =	vst v63  }
0xcc: {  	s20 =	sadd.s32 $0x5E0, s9;
	s11 =	sand.u32 $0x380, s11;
	s10 =	sadd.s32 $0x1400, s10  }
0xcd: {  	[hbm4b:s20+s2] =	stream.linear.scatter [tilespmem:s10], [sflag:$0x1], $0x80, $0x38;
	[tilespmem:$0x6200] =	vst v63  }
0xce: {  	s21 =	sadd.s32 $0x370, s9;
	s11 =	sor.u32 s11, s12  }
0xcf: {  	[hbm4b:s21+s2] =	stream.linear.scatter [tilespmem:s11], [sflag:$0x1], $0x80, $0x38;
	[tilespmem:$0x6200] =	vst v63  }
0xd0: {  	s23 =	sadd.s32 $0x3F0, s9;
	s22 =	sor.u32 $0x400, s11  }
0xd1: {  	[hbm4b:s23+s2] =	stream.linear.scatter [tilespmem:s22], [sflag:$0x1], $0x80, $0x38;
	[tilespmem:$0x6200] =	vst v63  }
0xd2: {  	s25 =	sadd.s32 $0x470, s9;
	s24 =	sadd.s32 $0x800, s11  }
0xd3: {  	[hbm4b:s25+s2] =	stream.linear.scatter [tilespmem:s24], [sflag:$0x1], $0x80, $0x38;
	[tilespmem:$0x6200] =	vst v63  }
0xd4: {  	p1 =	por $0x1, $0x1;
	s28 =	sadd.s32 $0x4F0, s9;
	s26 =	sadd.s32 $0xC00, s11  }
0xd5: {  	[hbm4b:s28+s2] =	stream.linear.scatter [tilespmem:s26], [sflag:$0x1], $0x80, $0x38;
	[tilespmem:$0x6200] =	vst v63  }
0xd6: {  	s12 =	simm.s32 @!p1 $0x1;
	s29 =	sadd.s32 $0x1000, s11;
	s30 =	sadd.s32 $0x570, s9  }
0xd7: {  	[hbm4b:s30+s2] =	stream.linear.scatter [tilespmem:s29], [sflag:$0x1], $0x80, $0x38;
	[tilespmem:$0x6200] =	vst v63  }
0xd8: {  	s31 =	sadd.s32 $0x1400, s11;
	s9 =	sadd.s32 $0x5F0, s9;
	s10 =	simm.s32 $0x6010  }
0xd9: {  	[hbm4b:s9+s2] =	stream.linear.scatter [tilespmem:s31], [sflag:$0x1], $0x80, $0x38;
	[tilespmem:$0x6200] =	vst v63  }
0xda: {  	s11 =	simm.s32 $0x0;
	s9 =	simm.s32 $0x600;
	_ =	swait.ge @!p1 [sflag:s12], $0x3000  }
.LBB2_2:
0xdb: {  	[sflag:s12] =	ssyncset.done @!p1 $0x0  }
0xdc: {  	[sflag:s12] =	ssyncadd.s32 @!p1 $0xFFFFD000  }
0xdd: {  	v0 =	vld [tilespmem:s10+$0x0];
	_ =	sdelay $0x4  }
0xde: {  	(v2sf) =	vpush v0, $0x0;
	_ =	sdelay $0x6  }
0xdf: {  	(v2sf) =	vpush v0, $0x1;
	_ =	sdelay $0x3  }
0xe0: {  	(v2sf) =	vpush v0, $0x2;
	_ =	sdelay $0x3  }
0xe1: {  	s14 =	spop (v2sf)  }
0xe2: {  	s13 =	smov.u32 s9;
	s28 =	rddreg [dreg:$0x4];
	s15 =	sshrl.u32 s14, $0x3  }
0xe3: {  	s12 =	sadd.s32 s13, s28;
	s15 =	smul.u32 $0x6000, s15  }
0xe4: {  	s31 =	sadd.s32 $0x80, s12;
	s21 =	sadd.s32 $0x100, s12;
	s14 =	sshll.u32 s14, $0x7  }
0xe5: {  	s23 =	sadd.s32 $0x180, s12;
	(v2sf) =	vpush v0, $0x3;
	s14 =	sand.u32 $0x380, s14;
	s15 =	sshra.s32 s15, $0x2  }
0xe6: {  	s25 =	sadd.s32 $0x200, s12;
	s26 =	sadd.s32 $0x280, s12;
	s29 =	sor.u32 s14, s15  }
0xe7: {  	[hbm4b:s12+s2] =	stream.linear.scatter [tilespmem:s29], [sflag:$0x1], $0x80, $0x38;
	[tilespmem:$0x6200] =	vst v63  }
0xe8: {  	s28 =	sadd.s32 $0x10, s12;
	s16 =	spop (v2sf);
	s15 =	sor.u32 $0x400, s29  }
0xe9: {  	[hbm4b:s31+s2] =	stream.linear.scatter [tilespmem:s15], [sflag:$0x1], $0x80, $0x38;
	[tilespmem:$0x6200] =	vst v63  }
0xea: {  	s17 =	sshrl.u32 s16, $0x3;
	s16 =	sshll.u32 s16, $0x7;
	s20 =	sadd.s32 $0x800, s29  }
0xeb: {  	[hbm4b:s21+s2] =	stream.linear.scatter [tilespmem:s20], [sflag:$0x1], $0x80, $0x38;
	[tilespmem:$0x6200] =	vst v63  }
0xec: {  	s18 =	spop (v2sf);
	s17 =	smul.u32 $0x6000, s17;
	s22 =	sadd.s32 $0xC00, s29  }
0xed: {  	[hbm4b:s23+s2] =	stream.linear.scatter [tilespmem:s22], [sflag:$0x1], $0x80, $0x38;
	[tilespmem:$0x6200] =	vst v63  }
0xee: {  	s19 =	sshrl.u32 s18, $0x3;
	s16 =	sand.u32 $0x380, s16;
	s24 =	sadd.s32 $0x1000, s29  }
0xef: {  	[hbm4b:s25+s2] =	stream.linear.scatter [tilespmem:s24], [sflag:$0x1], $0x80, $0x38;
	[tilespmem:$0x6200] =	vst v63  }
0xf0: {  	s19 =	smul.u32 $0x6000, s19;
	s30 =	sshra.s32 s17, $0x2;
	s13 =	sadd.s32 $0x1400, s29  }
0xf1: {  	[hbm4b:s26+s2] =	stream.linear.scatter [tilespmem:s13], [sflag:$0x1], $0x80, $0x38;
	[tilespmem:$0x6200] =	vst v63  }
0xf2: {  	s18 =	sshll.u32 s18, $0x7;
	s19 =	sshra.s32 s19, $0x2;
	s14 =	sor.u32 s16, s30  }
0xf3: {  	[hbm4b:s28+s2] =	stream.linear.scatter [tilespmem:s14], [sflag:$0x1], $0x80, $0x38;
	[tilespmem:$0x6200] =	vst v63  }
0xf4: {  	s30 =	sor.u32 $0x400, s14;
	s31 =	sadd.s32 $0x90, s12;
	s20 =	spop (v2sf)  }
0xf5: {  	(v2sf) =	vpush v0, $0x4;
	[hbm4b:s31+s2] =	stream.linear.scatter [tilespmem:s30], [sflag:$0x1], $0x80, $0x38;
	[tilespmem:$0x6200] =	vst v63  }
0xf6: {  	s17 =	sadd.s32 $0x800, s14;
	s21 =	sadd.s32 $0x110, s12;
	s29 =	sshrl.u32 s20, $0x3  }
0xf7: {  	[hbm4b:s21+s2] =	stream.linear.scatter [tilespmem:s17], [sflag:$0x1], $0x80, $0x38;
	[tilespmem:$0x6200] =	vst v63  }
0xf8: {  	s15 =	smul.u32 $0x6000, s29;
	s22 =	sadd.s32 $0xC00, s14;
	s23 =	sadd.s32 $0x190, s12  }
0xf9: {  	[hbm4b:s23+s2] =	stream.linear.scatter [tilespmem:s22], [sflag:$0x1], $0x80, $0x38;
	[tilespmem:$0x6200] =	vst v63  }
0xfa: {  	s29 =	sand.u32 $0x380, s18;
	s24 =	sadd.s32 $0x1000, s14;
	s25 =	sadd.s32 $0x210, s12  }
0xfb: {  	(v2sf) =	vpush v0, $0x5;
	[hbm4b:s25+s2] =	stream.linear.scatter [tilespmem:s24], [sflag:$0x1], $0x80, $0x38;
	[tilespmem:$0x6200] =	vst v63  }
0xfc: {  	s18 =	sadd.s32 $0x30, s12;
	s26 =	sadd.s32 $0x1400, s14;
	s28 =	sadd.s32 $0x290, s12  }
0xfd: {  	[hbm4b:s28+s2] =	stream.linear.scatter [tilespmem:s26], [sflag:$0x1], $0x80, $0x38;
	[tilespmem:$0x6200] =	vst v63  }
0xfe: {  	s15 =	sshra.s32 s15, $0x2;
	s30 =	sadd.s32 $0x20, s12;
	s31 =	sor.u32 s29, s19  }
0xff: {  	[hbm4b:s30+s2] =	stream.linear.scatter [tilespmem:s31], [sflag:$0x1], $0x80, $0x38;
	[tilespmem:$0x6200] =	vst v63  }
0x100: {  	s29 =	sadd.s32 $0x220, s12;
	s21 =	sor.u32 $0x400, s31;
	s22 =	sadd.s32 $0xA0, s12  }
0x101: {  	[hbm4b:s22+s2] =	stream.linear.scatter [tilespmem:s21], [sflag:$0x1], $0x80, $0x38;
	[tilespmem:$0x6200] =	vst v63  }
0x102: {  	s17 =	sshll.u32 s20, $0x7;
	s23 =	sadd.s32 $0x800, s31;
	s24 =	sadd.s32 $0x120, s12  }
0x103: {  	[hbm4b:s24+s2] =	stream.linear.scatter [tilespmem:s23], [sflag:$0x1], $0x80, $0x38;
	[tilespmem:$0x6200] =	vst v63  }
0x104: {  	s20 =	spop (v2sf);
	s25 =	sadd.s32 $0xC00, s31;
	s26 =	sadd.s32 $0x1A0, s12  }
0x105: {  	[hbm4b:s26+s2] =	stream.linear.scatter [tilespmem:s25], [sflag:$0x1], $0x80, $0x38;
	[tilespmem:$0x6200] =	vst v63  }
0x106: {  	s19 =	sshrl.u32 s20, $0x3;
	s17 =	sand.u32 $0x380, s17;
	s28 =	sadd.s32 $0x1000, s31  }
0x107: {  	[hbm4b:s29+s2] =	stream.linear.scatter [tilespmem:s28], [sflag:$0x1], $0x80, $0x38;
	[tilespmem:$0x6200] =	vst v63  }
0x108: {  	s16 =	smul.u32 $0x6000, s19;
	s30 =	sadd.s32 $0x1400, s31;
	s31 =	sadd.s32 $0x2A0, s12  }
0x109: {  	(v2sf) =	vpush v0, $0x6;
	[hbm4b:s31+s2] =	stream.linear.scatter [tilespmem:s30], [sflag:$0x1], $0x80, $0x38;
	[tilespmem:$0x6200] =	vst v63  }
0x10a: {  	s19 =	sshll.u32 s20, $0x7;
	s20 =	spop (v2sf);
	s21 =	sor.u32 s17, s15  }
0x10b: {  	[hbm4b:s18+s2] =	stream.linear.scatter [tilespmem:s21], [sflag:$0x1], $0x80, $0x38;
	[tilespmem:$0x6200] =	vst v63  }
0x10c: {  	s16 =	sshra.s32 s16, $0x2;
	s23 =	sor.u32 $0x400, s21;
	s24 =	sadd.s32 $0xB0, s12  }
0x10d: {  	[hbm4b:s24+s2] =	stream.linear.scatter [tilespmem:s23], [sflag:$0x1], $0x80, $0x38;
	[tilespmem:$0x6200] =	vst v63  }
0x10e: {  	s22 =	sshrl.u32 s20, $0x3;
	s25 =	sadd.s32 $0x800, s21;
	s26 =	sadd.s32 $0x130, s12  }
0x10f: {  	[hbm4b:s26+s2] =	stream.linear.scatter [tilespmem:s25], [sflag:$0x1], $0x80, $0x38;
	[tilespmem:$0x6200] =	vst v63  }
0x110: {  	s17 =	sadd.s32 $0x2B0, s12;
	s28 =	sadd.s32 $0xC00, s21;
	s29 =	sadd.s32 $0x1B0, s12  }
0x111: {  	[hbm4b:s29+s2] =	stream.linear.scatter [tilespmem:s28], [sflag:$0x1], $0x80, $0x38;
	[tilespmem:$0x6200] =	vst v63  }
0x112: {  	s15 =	smul.u32 $0x6000, s22;
	s30 =	sadd.s32 $0x1000, s21;
	s31 =	sadd.s32 $0x230, s12  }
0x113: {  	(v2sf) =	vpush v0, $0x7;
	[hbm4b:s31+s2] =	stream.linear.scatter [tilespmem:s30], [sflag:$0x1], $0x80, $0x38;
	[tilespmem:$0x6200] =	vst v63  }
0x114: {  	s14 =	sadd.s32 $0x1400, s21;
	s22 =	sadd.s32 $0x40, s12;
	s21 =	sand.u32 $0x380, s19  }
0x115: {  	[hbm4b:s17+s2] =	stream.linear.scatter [tilespmem:s14], [sflag:$0x1], $0x80, $0x38;
	[tilespmem:$0x6200] =	vst v63  }
0x116: {  	s15 =	sshra.s32 s15, $0x2;
	s18 =	sshll.u32 s20, $0x7;
	s23 =	sor.u32 s21, s16  }
0x117: {  	[hbm4b:s22+s2] =	stream.linear.scatter [tilespmem:s23], [sflag:$0x1], $0x80, $0x38;
	[tilespmem:$0x6200] =	vst v63  }
0x118: {  	s20 =	spop (v2sf);
	s25 =	sor.u32 $0x400, s23;
	s26 =	sadd.s32 $0xC0, s12  }
0x119: {  	[hbm4b:s26+s2] =	stream.linear.scatter [tilespmem:s25], [sflag:$0x1], $0x80, $0x38;
	[tilespmem:$0x6200] =	vst v63  }
0x11a: {  	s19 =	sshll.u32 s20, $0x7;
	s28 =	sadd.s32 $0x800, s23;
	s29 =	sadd.s32 $0x140, s12  }
0x11b: {  	[hbm4b:s29+s2] =	stream.linear.scatter [tilespmem:s28], [sflag:$0x1], $0x80, $0x38;
	[tilespmem:$0x6200] =	vst v63  }
0x11c: {  	s24 =	sshrl.u32 s20, $0x3;
	s30 =	sadd.s32 $0xC00, s23;
	s31 =	sadd.s32 $0x1C0, s12  }
0x11d: {  	[hbm4b:s31+s2] =	stream.linear.scatter [tilespmem:s30], [sflag:$0x1], $0x80, $0x38;
	[tilespmem:$0x6200] =	vst v63  }
0x11e: {  	s16 =	smul.u32 $0x6000, s24;
	s21 =	sadd.s32 $0x1000, s23;
	s22 =	sadd.s32 $0x240, s12  }
0x11f: {  	[hbm4b:s22+s2] =	stream.linear.scatter [tilespmem:s21], [sflag:$0x1], $0x80, $0x38;
	[tilespmem:$0x6200] =	vst v63  }
0x120: {  	s24 =	sadd.s32 $0x2C0, s12;
	s23 =	sadd.s32 $0x1400, s23;
	s25 =	sand.u32 $0x380, s18  }
0x121: {  	[hbm4b:s24+s2] =	stream.linear.scatter [tilespmem:s23], [sflag:$0x1], $0x80, $0x38;
	[tilespmem:$0x6200] =	vst v63  }
0x122: {  	s20 =	spop (v2sf);
	s26 =	sadd.s32 $0x50, s12;
	s28 =	sor.u32 s25, s15  }
0x123: {  	(v2sf) =	vpush v0, $0x8;
	[hbm4b:s26+s2] =	stream.linear.scatter [tilespmem:s28], [sflag:$0x1], $0x80, $0x38;
	[tilespmem:$0x6200] =	vst v63  }
0x124: {  	s16 =	sshra.s32 s16, $0x2;
	s30 =	sor.u32 $0x400, s28;
	s31 =	sadd.s32 $0xD0, s12  }
0x125: {  	[hbm4b:s31+s2] =	stream.linear.scatter [tilespmem:s30], [sflag:$0x1], $0x80, $0x38;
	[tilespmem:$0x6200] =	vst v63  }
0x126: {  	s29 =	sshrl.u32 s20, $0x3;
	s18 =	sadd.s32 $0x800, s28;
	s21 =	sadd.s32 $0x150, s12  }
0x127: {  	[hbm4b:s21+s2] =	stream.linear.scatter [tilespmem:s18], [sflag:$0x1], $0x80, $0x38;
	[tilespmem:$0x6200] =	vst v63  }
0x128: {  	s25 =	sadd.s32 $0x250, s12;
	s22 =	sadd.s32 $0xC00, s28;
	s23 =	sadd.s32 $0x1D0, s12  }
0x129: {  	[hbm4b:s23+s2] =	stream.linear.scatter [tilespmem:s22], [sflag:$0x1], $0x80, $0x38;
	[tilespmem:$0x6200] =	vst v63  }
0x12a: {  	s15 =	smul.u32 $0x6000, s29;
	s29 =	sand.u32 $0x380, s19;
	s24 =	sadd.s32 $0x1000, s28  }
0x12b: {  	[hbm4b:s25+s2] =	stream.linear.scatter [tilespmem:s24], [sflag:$0x1], $0x80, $0x38;
	[tilespmem:$0x6200] =	vst v63  }
0x12c: {  	s26 =	sadd.s32 $0x1400, s28;
	s28 =	sadd.s32 $0x2D0, s12;
	s31 =	sor.u32 s29, s16  }
0x12d: {  	[hbm4b:s28+s2] =	stream.linear.scatter [tilespmem:s26], [sflag:$0x1], $0x80, $0x38;
	[tilespmem:$0x6200] =	vst v63  }
0x12e: {  	s15 =	sshra.s32 s15, $0x2;
	s30 =	sadd.s32 $0x60, s12;
	s19 =	sor.u32 $0x400, s31  }
0x12f: {  	(v2sf) =	vpush v0, $0x9;
	[hbm4b:s30+s2] =	stream.linear.scatter [tilespmem:s31], [sflag:$0x1], $0x80, $0x38;
	[tilespmem:$0x6200] =	vst v63  }
0x130: {  	s29 =	sadd.s32 $0x1400, s31;
	s18 =	sshll.u32 s20, $0x7;
	s21 =	sadd.s32 $0xE0, s12  }
0x131: {  	[hbm4b:s21+s2] =	stream.linear.scatter [tilespmem:s19], [sflag:$0x1], $0x80, $0x38;
	[tilespmem:$0x6200] =	vst v63  }
0x132: {  	s20 =	spop (v2sf);
	s22 =	sadd.s32 $0x800, s31;
	s23 =	sadd.s32 $0x160, s12  }
0x133: {  	[hbm4b:s23+s2] =	stream.linear.scatter [tilespmem:s22], [sflag:$0x1], $0x80, $0x38;
	[tilespmem:$0x6200] =	vst v63  }
0x134: {  	s17 =	sshrl.u32 s20, $0x3;
	s24 =	sadd.s32 $0xC00, s31;
	s25 =	sadd.s32 $0x1E0, s12  }
0x135: {  	[hbm4b:s25+s2] =	stream.linear.scatter [tilespmem:s24], [sflag:$0x1], $0x80, $0x38;
	[tilespmem:$0x6200] =	vst v63  }
0x136: {  	s16 =	smul.u32 $0x6000, s17;
	s26 =	sadd.s32 $0x1000, s31;
	s28 =	sadd.s32 $0x260, s12  }
0x137: {  	[hbm4b:s28+s2] =	stream.linear.scatter [tilespmem:s26], [sflag:$0x1], $0x80, $0x38;
	[tilespmem:$0x6200] =	vst v63  }
0x138: {  	s17 =	sadd.s32 $0x2F0, s12;
	s30 =	sadd.s32 $0x2E0, s12;
	s31 =	sand.u32 $0x380, s18  }
0x139: {  	(v2sf) =	vpush v0, $0xA;
	[hbm4b:s30+s2] =	stream.linear.scatter [tilespmem:s29], [sflag:$0x1], $0x80, $0x38;
	[tilespmem:$0x6200] =	vst v63  }
0x13a: {  	s16 =	sshra.s32 s16, $0x2;
	s18 =	sadd.s32 $0x70, s12;
	s21 =	sor.u32 s31, s15  }
0x13b: {  	[hbm4b:s18+s2] =	stream.linear.scatter [tilespmem:s21], [sflag:$0x1], $0x80, $0x38;
	[tilespmem:$0x6200] =	vst v63  }
0x13c: {  	s19 =	sshll.u32 s20, $0x7;
	s23 =	sor.u32 $0x400, s21;
	s24 =	sadd.s32 $0xF0, s12  }
0x13d: {  	[hbm4b:s24+s2] =	stream.linear.scatter [tilespmem:s23], [sflag:$0x1], $0x80, $0x38;
	[tilespmem:$0x6200] =	vst v63  }
0x13e: {  	s20 =	spop (v2sf);
	s25 =	sadd.s32 $0x800, s21;
	s26 =	sadd.s32 $0x170, s12  }
0x13f: {  	[hbm4b:s26+s2] =	stream.linear.scatter [tilespmem:s25], [sflag:$0x1], $0x80, $0x38;
	[tilespmem:$0x6200] =	vst v63  }
0x140: {  	s31 =	sadd.s32 $0x270, s12;
	s28 =	sadd.s32 $0xC00, s21;
	s29 =	sadd.s32 $0x1F0, s12  }
0x141: {  	[hbm4b:s29+s2] =	stream.linear.scatter [tilespmem:s28], [sflag:$0x1], $0x80, $0x38;
	[tilespmem:$0x6200] =	vst v63  }
0x142: {  	s14 =	sadd.s32 $0x1400, s21;
	s22 =	sshrl.u32 s20, $0x3;
	s30 =	sadd.s32 $0x1000, s21  }
0x143: {  	[hbm4b:s31+s2] =	stream.linear.scatter [tilespmem:s30], [sflag:$0x1], $0x80, $0x38;
	[tilespmem:$0x6200] =	vst v63  }
0x144: {  	s15 =	smul.u32 $0x6000, s22;
	s22 =	sadd.s32 $0x300, s12;
	s21 =	sand.u32 $0x380, s19  }
0x145: {  	(v2sf) =	vpush v0, $0xB;
	[hbm4b:s17+s2] =	stream.linear.scatter [tilespmem:s14], [sflag:$0x1], $0x80, $0x38;
	[tilespmem:$0x6200] =	vst v63  }
0x146: {  	s15 =	sshra.s32 s15, $0x2;
	s18 =	sshll.u32 s20, $0x7;
	s23 =	sor.u32 s21, s16  }
0x147: {  	[hbm4b:s22+s2] =	stream.linear.scatter [tilespmem:s23], [sflag:$0x1], $0x80, $0x38;
	[tilespmem:$0x6200] =	vst v63  }
0x148: {  	s20 =	spop (v2sf);
	s25 =	sor.u32 $0x400, s23;
	s26 =	sadd.s32 $0x380, s12  }
0x149: {  	[hbm4b:s26+s2] =	stream.linear.scatter [tilespmem:s25], [sflag:$0x1], $0x80, $0x38;
	[tilespmem:$0x6200] =	vst v63  }
0x14a: {  	s19 =	sshll.u32 s20, $0x7;
	s28 =	sadd.s32 $0x800, s23;
	s29 =	sadd.s32 $0x400, s12  }
0x14b: {  	[hbm4b:s29+s2] =	stream.linear.scatter [tilespmem:s28], [sflag:$0x1], $0x80, $0x38;
	[tilespmem:$0x6200] =	vst v63  }
0x14c: {  	s24 =	sshrl.u32 s20, $0x3;
	s30 =	sadd.s32 $0xC00, s23;
	s31 =	sadd.s32 $0x480, s12  }
0x14d: {  	[hbm4b:s31+s2] =	stream.linear.scatter [tilespmem:s30], [sflag:$0x1], $0x80, $0x38;
	[tilespmem:$0x6200] =	vst v63  }
0x14e: {  	s16 =	smul.u32 $0x6000, s24;
	s21 =	sadd.s32 $0x1000, s23;
	s22 =	sadd.s32 $0x500, s12  }
0x14f: {  	[hbm4b:s22+s2] =	stream.linear.scatter [tilespmem:s21], [sflag:$0x1], $0x80, $0x38;
	[tilespmem:$0x6200] =	vst v63  }
0x150: {  	s24 =	sadd.s32 $0x580, s12;
	s23 =	sadd.s32 $0x1400, s23;
	s25 =	sand.u32 $0x380, s18  }
0x151: {  	[hbm4b:s24+s2] =	stream.linear.scatter [tilespmem:s23], [sflag:$0x1], $0x80, $0x38;
	[tilespmem:$0x6200] =	vst v63  }
0x152: {  	s16 =	sshra.s32 s16, $0x2;
	s26 =	sadd.s32 $0x310, s12;
	s28 =	sor.u32 s25, s15  }
0x153: {  	(v2sf) =	vpush v0, $0xC;
	[hbm4b:s26+s2] =	stream.linear.scatter [tilespmem:s28], [sflag:$0x1], $0x80, $0x38;
	[tilespmem:$0x6200] =	vst v63  }
0x154: {  	s20 =	spop (v2sf);
	s30 =	sor.u32 $0x400, s28;
	s31 =	sadd.s32 $0x390, s12  }
0x155: {  	[hbm4b:s31+s2] =	stream.linear.scatter [tilespmem:s30], [sflag:$0x1], $0x80, $0x38;
	[tilespmem:$0x6200] =	vst v63  }
0x156: {  	s29 =	sshrl.u32 s20, $0x3;
	s18 =	sadd.s32 $0x800, s28;
	s21 =	sadd.s32 $0x410, s12  }
0x157: {  	[hbm4b:s21+s2] =	stream.linear.scatter [tilespmem:s18], [sflag:$0x1], $0x80, $0x38;
	[tilespmem:$0x6200] =	vst v63  }
0x158: {  	s25 =	sadd.s32 $0x510, s12;
	s22 =	sadd.s32 $0xC00, s28;
	s23 =	sadd.s32 $0x490, s12  }
0x159: {  	[hbm4b:s23+s2] =	stream.linear.scatter [tilespmem:s22], [sflag:$0x1], $0x80, $0x38;
	[tilespmem:$0x6200] =	vst v63  }
0x15a: {  	s15 =	smul.u32 $0x6000, s29;
	s29 =	sand.u32 $0x380, s19;
	s24 =	sadd.s32 $0x1000, s28  }
0x15b: {  	[hbm4b:s25+s2] =	stream.linear.scatter [tilespmem:s24], [sflag:$0x1], $0x80, $0x38;
	[tilespmem:$0x6200] =	vst v63  }
0x15c: {  	s26 =	sadd.s32 $0x1400, s28;
	s28 =	sadd.s32 $0x590, s12;
	s31 =	sor.u32 s29, s16  }
0x15d: {  	(v2sf) =	vpush v0, $0xD;
	[hbm4b:s28+s2] =	stream.linear.scatter [tilespmem:s26], [sflag:$0x1], $0x80, $0x38;
	[tilespmem:$0x6200] =	vst v63  }
0x15e: {  	s15 =	sshra.s32 s15, $0x2;
	s30 =	sadd.s32 $0x320, s12;
	s19 =	sor.u32 $0x400, s31  }
0x15f: {  	[hbm4b:s30+s2] =	stream.linear.scatter [tilespmem:s31], [sflag:$0x1], $0x80, $0x38;
	[tilespmem:$0x6200] =	vst v63  }
0x160: {  	s29 =	sadd.s32 $0x1400, s31;
	s18 =	sshll.u32 s20, $0x7;
	s21 =	sadd.s32 $0x3A0, s12  }
0x161: {  	[hbm4b:s21+s2] =	stream.linear.scatter [tilespmem:s19], [sflag:$0x1], $0x80, $0x38;
	[tilespmem:$0x6200] =	vst v63  }
0x162: {  	s20 =	spop (v2sf);
	s22 =	sadd.s32 $0x800, s31;
	s23 =	sadd.s32 $0x420, s12  }
0x163: {  	[hbm4b:s23+s2] =	stream.linear.scatter [tilespmem:s22], [sflag:$0x1], $0x80, $0x38;
	[tilespmem:$0x6200] =	vst v63  }
0x164: {  	s17 =	sshrl.u32 s20, $0x3;
	s24 =	sadd.s32 $0xC00, s31;
	s25 =	sadd.s32 $0x4A0, s12  }
0x165: {  	[hbm4b:s25+s2] =	stream.linear.scatter [tilespmem:s24], [sflag:$0x1], $0x80, $0x38;
	[tilespmem:$0x6200] =	vst v63  }
0x166: {  	s16 =	smul.u32 $0x6000, s17;
	s26 =	sadd.s32 $0x1000, s31;
	s28 =	sadd.s32 $0x520, s12  }
0x167: {  	[hbm4b:s28+s2] =	stream.linear.scatter [tilespmem:s26], [sflag:$0x1], $0x80, $0x38;
	[tilespmem:$0x6200] =	vst v63  }
0x168: {  	s16 =	sshra.s32 s16, $0x2;
	s30 =	sadd.s32 $0x5A0, s12;
	s31 =	sand.u32 $0x380, s18  }
0x169: {  	[hbm4b:s30+s2] =	stream.linear.scatter [tilespmem:s29], [sflag:$0x1], $0x80, $0x38;
	[tilespmem:$0x6200] =	vst v63  }
0x16a: {  	s18 =	sadd.s32 $0x330, s12;
	s19 =	sshll.u32 s20, $0x7;
	s21 =	sor.u32 s31, s15  }
0x16b: {  	(v2sf) =	vpush v0, $0xE;
	[hbm4b:s18+s2] =	stream.linear.scatter [tilespmem:s21], [sflag:$0x1], $0x80, $0x38;
	[tilespmem:$0x6200] =	vst v63  }
0x16c: {  	s20 =	spop (v2sf);
	s23 =	sor.u32 $0x400, s21;
	s24 =	sadd.s32 $0x3B0, s12  }
0x16d: {  	[hbm4b:s24+s2] =	stream.linear.scatter [tilespmem:s23], [sflag:$0x1], $0x80, $0x38;
	[tilespmem:$0x6200] =	vst v63  }
0x16e: {  	s31 =	sadd.s32 $0x530, s12;
	s25 =	sadd.s32 $0x800, s21;
	s26 =	sadd.s32 $0x430, s12  }
0x16f: {  	[hbm4b:s26+s2] =	stream.linear.scatter [tilespmem:s25], [sflag:$0x1], $0x80, $0x38;
	[tilespmem:$0x6200] =	vst v63  }
0x170: {  	s14 =	sadd.s32 $0x1400, s21;
	s28 =	sadd.s32 $0xC00, s21;
	s29 =	sadd.s32 $0x4B0, s12  }
0x171: {  	[hbm4b:s29+s2] =	stream.linear.scatter [tilespmem:s28], [sflag:$0x1], $0x80, $0x38;
	[tilespmem:$0x6200] =	vst v63  }
0x172: {  	s19 =	sand.u32 $0x380, s19;
	s22 =	sshrl.u32 s20, $0x3;
	s30 =	sadd.s32 $0x1000, s21  }
0x173: {  	[hbm4b:s31+s2] =	stream.linear.scatter [tilespmem:s30], [sflag:$0x1], $0x80, $0x38;
	[tilespmem:$0x6200] =	vst v63  }
0x174: {  	s16 =	sor.u32 s19, s16;
	s18 =	sshll.u32 s20, $0x7;
	s20 =	sadd.s32 $0x5B0, s12  }
0x175: {  	(v2sf) =	vpush v0, $0xF;
	[hbm4b:s20+s2] =	stream.linear.scatter [tilespmem:s14], [sflag:$0x1], $0x80, $0x38;
	[tilespmem:$0x6200] =	vst v63  }
0x176: {  	s15 =	smul.u32 $0x6000, s22;
	s19 =	sadd.s32 $0x1400, s16;
	s21 =	sadd.s32 $0x340, s12  }
0x177: {  	[hbm4b:s21+s2] =	stream.linear.scatter [tilespmem:s16], [sflag:$0x1], $0x80, $0x38;
	[tilespmem:$0x6200] =	vst v63  }
0x178: {  	s15 =	sshra.s32 s15, $0x2;
	s23 =	sor.u32 $0x400, s16;
	s24 =	sadd.s32 $0x3C0, s12  }
0x179: {  	[hbm4b:s24+s2] =	stream.linear.scatter [tilespmem:s23], [sflag:$0x1], $0x80, $0x38;
	[tilespmem:$0x6200] =	vst v63  }
0x17a: {  	s13 =	spop (v2sf);
	s25 =	sadd.s32 $0x800, s16;
	s26 =	sadd.s32 $0x440, s12  }
0x17b: {  	[hbm4b:s26+s2] =	stream.linear.scatter [tilespmem:s25], [sflag:$0x1], $0x80, $0x38;
	[tilespmem:$0x6200] =	vst v63  }
0x17c: {  	s22 =	sshrl.u32 s13, $0x3;
	s28 =	sadd.s32 $0xC00, s16;
	s29 =	sadd.s32 $0x4C0, s12  }
0x17d: {  	[hbm4b:s29+s2] =	stream.linear.scatter [tilespmem:s28], [sflag:$0x1], $0x80, $0x38;
	[tilespmem:$0x6200] =	vst v63  }
0x17e: {  	s13 =	sshll.u32 s13, $0x7;
	s30 =	sadd.s32 $0x1000, s16;
	s31 =	sadd.s32 $0x540, s12  }
0x17f: {  	[hbm4b:s31+s2] =	stream.linear.scatter [tilespmem:s30], [sflag:$0x1], $0x80, $0x38;
	[tilespmem:$0x6200] =	vst v63  }
0x180: {  	s17 =	smul.u32 $0x6000, s22;
	s22 =	sadd.s32 $0x5C0, s12;
	s18 =	sand.u32 $0x380, s18  }
0x181: {  	[hbm4b:s22+s2] =	stream.linear.scatter [tilespmem:s19], [sflag:$0x1], $0x80, $0x38;
	[tilespmem:$0x6200] =	vst v63  }
0x182: {  	s13 =	sand.u32 $0x380, s13;
	s15 =	sor.u32 s18, s15;
	s23 =	sadd.s32 $0x350, s12  }
0x183: {  	[hbm4b:s23+s2] =	stream.linear.scatter [tilespmem:s15], [sflag:$0x1], $0x80, $0x38;
	[tilespmem:$0x6200] =	vst v63  }
0x184: {  	s20 =	spop (v2sf);
	s25 =	sor.u32 $0x400, s15;
	s26 =	sadd.s32 $0x3D0, s12  }
0x185: {  	[hbm4b:s26+s2] =	stream.linear.scatter [tilespmem:s25], [sflag:$0x1], $0x80, $0x38;
	[tilespmem:$0x6200] =	vst v63  }
0x186: {  	s21 =	sshrl.u32 s20, $0x3;
	s28 =	sadd.s32 $0x800, s15;
	s29 =	sadd.s32 $0x450, s12  }
0x187: {  	[hbm4b:s29+s2] =	stream.linear.scatter [tilespmem:s28], [sflag:$0x1], $0x80, $0x38;
	[tilespmem:$0x6200] =	vst v63  }
0x188: {  	s24 =	smul.u32 $0x6000, s21;
	s30 =	sadd.s32 $0xC00, s15;
	s31 =	sadd.s32 $0x4D0, s12  }
0x189: {  	[hbm4b:s31+s2] =	stream.linear.scatter [tilespmem:s30], [sflag:$0x1], $0x80, $0x38;
	[tilespmem:$0x6200] =	vst v63  }
0x18a: {  	s21 =	sadd.s32 $0x550, s12;
	s19 =	sshll.u32 s20, $0x7;
	s20 =	sadd.s32 $0x1000, s15  }
0x18b: {  	[hbm4b:s21+s2] =	stream.linear.scatter [tilespmem:s20], [sflag:$0x1], $0x80, $0x38;
	[tilespmem:$0x6200] =	vst v63  }
0x18c: {  	s17 =	sshra.s32 s17, $0x2;
	s22 =	sadd.s32 $0x1400, s15;
	s23 =	sadd.s32 $0x5D0, s12  }
0x18d: {  	[hbm4b:s23+s2] =	stream.linear.scatter [tilespmem:s22], [sflag:$0x1], $0x80, $0x38;
	[tilespmem:$0x6200] =	vst v63  }
0x18e: {  	s13 =	sor.u32 s13, s17;
	s16 =	sshra.s32 s24, $0x2;
	s24 =	sadd.s32 $0x360, s12  }
0x18f: {  	[hbm4b:s24+s2] =	stream.linear.scatter [tilespmem:s13], [sflag:$0x1], $0x80, $0x38;
	[tilespmem:$0x6200] =	vst v63  }
0x190: {  	s25 =	sor.u32 $0x400, s13;
	s26 =	sadd.s32 $0x3E0, s12  }
0x191: {  	[hbm4b:s26+s2] =	stream.linear.scatter [tilespmem:s25], [sflag:$0x1], $0x80, $0x38;
	[tilespmem:$0x6200] =	vst v63  }
0x192: {  	s28 =	sadd.s32 $0x800, s13;
	s29 =	sadd.s32 $0x460, s12  }
0x193: {  	[hbm4b:s29+s2] =	stream.linear.scatter [tilespmem:s28], [sflag:$0x1], $0x80, $0x38;
	[tilespmem:$0x6200] =	vst v63  }
0x194: {  	s30 =	sadd.s32 $0xC00, s13;
	s31 =	sadd.s32 $0x4E0, s12  }
0x195: {  	[hbm4b:s31+s2] =	stream.linear.scatter [tilespmem:s30], [sflag:$0x1], $0x80, $0x38;
	[tilespmem:$0x6200] =	vst v63  }
0x196: {  	s17 =	sadd.s32 $0x560, s12;
	s15 =	sadd.s32 $0x1000, s13  }
0x197: {  	[hbm4b:s17+s2] =	stream.linear.scatter [tilespmem:s15], [sflag:$0x1], $0x80, $0x38;
	[tilespmem:$0x6200] =	vst v63  }
0x198: {  	s18 =	sadd.s32 $0x5E0, s12;
	s19 =	sand.u32 $0x380, s19;
	s13 =	sadd.s32 $0x1400, s13  }
0x199: {  	[hbm4b:s18+s2] =	stream.linear.scatter [tilespmem:s13], [sflag:$0x1], $0x80, $0x38;
	[tilespmem:$0x6200] =	vst v63  }
0x19a: {  	s20 =	sadd.s32 $0x370, s12;
	s21 =	sor.u32 s19, s16  }
0x19b: {  	[hbm4b:s20+s2] =	stream.linear.scatter [tilespmem:s21], [sflag:$0x1], $0x80, $0x38;
	[tilespmem:$0x6200] =	vst v63  }
0x19c: {  	s22 =	sor.u32 $0x400, s21;
	s23 =	sadd.s32 $0x3F0, s12  }
0x19d: {  	[hbm4b:s23+s2] =	stream.linear.scatter [tilespmem:s22], [sflag:$0x1], $0x80, $0x38;
	[tilespmem:$0x6200] =	vst v63  }
0x19e: {  	s24 =	sadd.s32 $0x800, s21;
	s25 =	sadd.s32 $0x470, s12  }
0x19f: {  	[hbm4b:s25+s2] =	stream.linear.scatter [tilespmem:s24], [sflag:$0x1], $0x80, $0x38;
	[tilespmem:$0x6200] =	vst v63  }
0x1a0: {  	s9 =	sadd.s32 $0x600, s9;
	s26 =	sadd.s32 $0xC00, s21;
	s28 =	sadd.s32 $0x4F0, s12  }
0x1a1: {  	[hbm4b:s28+s2] =	stream.linear.scatter [tilespmem:s26], [sflag:$0x1], $0x80, $0x38;
	[tilespmem:$0x6200] =	vst v63  }
0x1a2: {  	p0 =	sne.s32 s9, $0xC000;
	s29 =	sadd.s32 $0x1000, s21;
	s30 =	sadd.s32 $0x570, s12  }
0x1a3: {  	[hbm4b:s30+s2] =	stream.linear.scatter [tilespmem:s29], [sflag:$0x1], $0x80, $0x38;
	[tilespmem:$0x6200] =	vst v63  }
.Ltmp0:
0x1a4: {  	s11 =	sadd.s32 $0x1, s11;
	(pc) =	sbr.rel @p0 .LBB2_2-.Ltmp0, $4  }
0x1a5: {  	p1 =	slt.u32 s11, $0x8;
	s31 =	sadd.s32 $0x1400, s21;
	s12 =	sadd.s32 $0x5F0, s12  }
0x1a6: {  	[hbm4b:s12+s2] =	stream.linear.scatter [tilespmem:s31], [sflag:$0x1], $0x80, $0x38;
	[tilespmem:$0x6200] =	vst v63  }
0x1a7: {  	s12 =	simm.s32 @!p1 $0x1  }
0x1a8: {  	s10 =	sadd.s32 $0x10, s10;
	_ =	swait.ge @!p1 [sflag:s12], $0x3000  }
0x1a9: {  	[sflag:s12] =	ssyncset.done @!p1 $0x0  }
0x1aa: {  	[sflag:s12] =	ssyncadd.s32 @!p1 $0xFFFFD000  }
0x1ab: {  	_ =	swait.ge [sflag:s7], $0x3000  }
0x1ac: {  	[sflag:s7] =	ssyncset.done $0x0  }
0x1ad: {  	[sflag:s7] =	ssyncadd.s32 $0xFFFFD000  }
0x1ae: {  	_ =	swait.ge [sflag:s7], $0x3000  }
0x1af: {  	[sflag:s7] =	ssyncset.done $0x0  }
0x1b0: {  	[sflag:s7] =	ssyncadd.s32 $0xFFFFD000  }
0x1b1: {  	_ =	swait.ge [sflag:s7], $0x3000  }
0x1b2: {  	[sflag:s7] =	ssyncset.done $0x0  }
0x1b3: {  	[sflag:s7] =	ssyncadd.s32 $0xFFFFD000  }
0x1b4: {  	_ =	swait.ge [sflag:s7], $0x3000  }
0x1b5: {  	[sflag:s7] =	ssyncset.done $0x0  }
0x1b6: {  	[sflag:s7] =	ssyncadd.s32 $0xFFFFD000  }
0x1b7: {  	_ =	swait.ge [sflag:s7], $0x3000  }
0x1b8: {  	[sflag:s7] =	ssyncset.done $0x0  }
0x1b9: {  	[sflag:s7] =	ssyncadd.s32 $0xFFFFD000  }
0x1ba: {  	_ =	swait.ge [sflag:s7], $0x3000  }
0x1bb: {  	[sflag:s7] =	ssyncset.done $0x0  }
0x1bc: {  	s8 =	sadd.s32 $0x1, s8;
	[sflag:s7] =	ssyncadd.s32 $0xFFFFD000  }
0x1bd: {  	p0 =	sne.s32 s8, s5;
	_ =	swait.ge [sflag:s7], $0x3000  }
.Ltmp1:
0x1be: {  	[sflag:s7] =	ssyncset.done $0x0;
	(pc) =	sbr.rel @p0 .LBB2_1-.Ltmp1, $4  }
0x1bf: {  	[sflag:s7] =	ssyncadd.s32 $0xFFFFD000  }
0x1c0: {  	_ =	swait.ge [sflag:s7], $0x3000  }
0x1c1: {  	[sflag:s7] =	ssyncset.done $0x0  }
0x1c2: {  	[sflag:s7] =	ssyncadd.s32 $0xFFFFD000  }
0x1c3: {  	_ =	sfence.sel $0x180000  }
0x1c4: {  	[bflag:$0x0] =	sbarrier.arrive $0xFFFF  }
0x1c5: {  	p0 =	sne.s32 s0, $0x0;
	_ =	strace $0x90000047  }
0x1c6: {  	s0 =	sadd.s32 @!p0 $0x100000, s1;
	[bflag:$0x2] =	sbarrier.arrive $0xFFFF  }
0x1c7: {  	[sflag:s0] =	ssyncadd.tile.s32 @!p0 $0x1;
	_ =	shalt  }
.Lfunc_end2:
_tile_overlayer_lowered:
.L_overlay_start_2:
0x1c8: {  	(tag) =	ssettag $0x2  }
0x1c9: {  	s0 =	rddreg [dreg:$0x0];
	s2 =	stileid.u32  }
0x1ca: {  	s1 =	rddreg [dreg:$0x1];
	p0 =	sne.s32 s2, $0x0  }
0x1cb: {  	s3 =	rddreg [dreg:$0x2];
	[bflag:$0x3] =	sbarrier.arrive $0xFFFF;
	s2 =	simm.s32 @!p0 $0x1C02  }
0x1cc: {  	[timem:s3], [sflag:s2] =	dma.local @!p0 [hbm:s0], s1  }
0x1cd: {  	s0 =	simm.s32 @!p0 $0x2  }
0x1ce: {  	_ =	swait.ge @!p0 [sflag:s0], s1  }
0x1cf: {  	s1 =	ssub.s32 @!p0 $0x0, s1;
	[sflag:s0] =	ssyncset.done @!p0 $0x0  }
0x1d0: {  	[sflag:s0] =	ssyncadd.s32 @!p0 s1  }
0x1d1: {  	[bflag:$0x3] =	sbarrier.arrive $0xFFFF  }
0x1d2: {  	_ =	shalt  }

</sc_bundles>
